<compile_context>
chip_gen: v7x
topology: tpu7x:2x2x1
jax: 0.10.2.dev20260603
libtpu: 0.0.44.dev20260713+nightly
codegen_flags: <defaults>
</compile_context>

<pallas_src>
import functools

import jax
import jax.numpy as jnp
from jax import lax
from jax.experimental import pallas as pl
from jax.experimental.pallas import tpu as pltpu
from jax.experimental.pallas import tpu_sc as plsc

_B = 16384
_C = 1000
_NC = 2
_NS = 16
_NW = _NC * _NS
_L = 16
_BPW = _B // _NW
_G = 128
_NG = _BPW // _G
_CHUNKS = _BPW // _L

_mesh = plsc.VectorSubcoreMesh(core_axis_name="c", subcore_axis_name="s")


@functools.partial(
    pl.kernel,
    mesh=_mesh,
    compiler_params=pltpu.CompilerParams(needs_layout_passes=False),
    out_type=jax.ShapeDtypeStruct((_B,), jnp.float32),
    scratch_types=[
        pltpu.VMEM((_BPW,), jnp.int32),
        pltpu.VMEM((_BPW, _G), jnp.float32),
        pltpu.VMEM((_BPW,), jnp.float32),
        pltpu.SemaphoreType.DMA,
    ],
)
def _depth_sc(xt_hbm, labels_hbm, out_hbm, lab_v, seg_v, out_v, sem):
    wid = lax.axis_index("s") * _NC + lax.axis_index("c")
    base = wid * _BPW

    pltpu.sync_copy(labels_hbm.at[pl.ds(base, _BPW)], lab_v)

    copies = [
        pltpu.make_async_copy(
            xt_hbm.at[
                plsc.Indices(lab_v.at[pl.ds(c * _G, _G)]),
                pl.ds(base + c * _G, _G),
            ],
            seg_v.at[pl.ds(c * _G, _G), :],
            sem,
        )
        for c in range(_NG)
    ]
    for cp in copies:
        cp.start()
    for cp in copies:
        cp.wait()

    lane = lax.iota(jnp.int32, _L)

    def extract(j, _):
        pos = j * _L + lane
        v = plsc.load_gather(seg_v, [pos, pos & (_G - 1)])
        out_v[pl.ds(j * _L, _L)] = jnp.exp(jnp.abs(v * jnp.float32(0.1))) - 1.0
        return _

    lax.fori_loop(0, _CHUNKS, extract, None)

    pltpu.sync_copy(out_v, out_hbm.at[pl.ds(base, _BPW)])


def kernel(x, labels):
    depth = _depth_sc(x.T, labels.astype(jnp.int32))
    return depth[:, None]

# --- scband reference (transcript-rebuilt; emitter-appended) ---
"""Pipeline reference for scband-depth-post-processor-13297218748630 (READ-ONLY COPY).

The authoritative reference and input builder live on the scoring server;
editing this copy changes nothing except your own understanding.
"""

import jax, jax.numpy as jnp
import numpy as np

REG_AMPLIFIER = 10.0
REG_LOGARITHM = True


def setup_inputs(seed: int = 0) -> dict:
    key = jax.random.key(seed)
    k1, k2 = jax.random.split(key)
    x = jax.random.normal(k1, (16384, 1000), dtype=jnp.float32)
    labels = jax.random.randint(k2, (16384,), 0, 1000, dtype=jnp.int64 if jax.config.jax_enable_x64 else jnp.int32)
    return {"x": x, "labels": labels}


def reference(x, labels):
    # Gather the depth logit corresponding to each box's predicted class.
    num_batches = x.shape[0]
    index = jnp.arange(num_batches)
    depth = x[index, labels][:, None]
    # Post-process: undo the regression amplifier, then the log transform.
    depth = depth / REG_AMPLIFIER
    if REG_LOGARITHM:
        depth = jnp.exp(jnp.abs(depth)) - 1.0
    return depth

if __name__ == "__main__":
    import jax
    _d = setup_inputs()
    print(jax.jit(kernel)(*tuple(_d.values())))

</pallas_src>

<mosaic_0001>
#map = affine_map<(d0, d1) -> (0, 0)>
#map1 = affine_map<(d0, d1) -> (0)>
module attributes {stable_mosaic.version = 14 : i64} {
  func.func @_depth_sc(%arg0: i32, %arg1: i32, %arg2: memref<1000x16384xf32, #tpu.memory_space<hbm>>, %arg3: memref<16384xi32, #tpu.memory_space<hbm>>, %arg4: memref<16384xf32, #tpu.memory_space<hbm>>, %arg5: memref<512xi32, #tpu.memory_space<vmem>>, %arg6: memref<512x128xf32, #tpu.memory_space<vmem>>, %arg7: memref<512xf32, #tpu.memory_space<vmem>>, %arg8: memref<!tpu.dma_semaphore, #tpu.memory_space<semaphore_mem>>) attributes {dimension_semantics = [#tpu.dimension_semantics<core_parallel>, #tpu.dimension_semantics<subcore_parallel>], iteration_bounds = array<i64: 2, 16>, scalar_prefetch = 0 : i64, scratch_operands = 4 : i64, tpu.core_type = #tpu.core_type<sc_vector_subcore>, window_params = [{transform_indices = #map}, {transform_indices = #map1}, {transform_indices = #map1}]} {
    %mul3A = arith.constant 2 : i32
    %mul3A_0 = arith.muli %arg1, %mul3A : i32
    %add3A = arith.addi %mul3A_0, %arg0 : i32
    %mul3A_1 = arith.constant 512 : i32
    %mul3A_2 = arith.muli %add3A, %mul3A_1 : i32
    "tpu.region"() ({
      %run_scoped3A = tpu.sem_alloc : memref<!tpu.dma_semaphore, #tpu.memory_space<semaphore_mem>>
      %dma_start3A_69 = tpu.memref_slice %arg3[%mul3A_2] : memref<16384xi32, #tpu.memory_space<hbm>> -> memref<512xi32, #tpu.memory_space<hbm>>
      %dma_start3A_70 = tpu.memref_slice %arg3[%mul3A_2] : memref<16384xi32, #tpu.memory_space<hbm>> -> memref<512xi32, #tpu.memory_space<hbm>>
      tpu.enqueue_dma source(%dma_start3A_70 : memref<512xi32, #tpu.memory_space<hbm>>) target(%arg5 : memref<512xi32, #tpu.memory_space<vmem>>) target_semaphore(%run_scoped3A : memref<!tpu.dma_semaphore, #tpu.memory_space<semaphore_mem>>)
      %dma_wait3A_71 = tpu.memref_slice %arg3[%mul3A_2] : memref<16384xi32, #tpu.memory_space<hbm>> -> memref<512xi32, #tpu.memory_space<hbm>>
      %dma_wait3A_72 = tpu.memref_slice %arg3[%mul3A_2] : memref<16384xi32, #tpu.memory_space<hbm>> -> memref<512xi32, #tpu.memory_space<hbm>>
      tpu.wait_dma2 semaphore(%run_scoped3A : memref<!tpu.dma_semaphore, #tpu.memory_space<semaphore_mem>>) src(%dma_wait3A_72 : memref<512xi32, #tpu.memory_space<hbm>>) dst(%arg5 : memref<512xi32, #tpu.memory_space<vmem>>)
      tpu.yield
    }) : () -> ()
    %add3A_3 = arith.constant 0 : i32
    %add3A_4 = arith.addi %mul3A_2, %add3A_3 : i32
    %add3A_5 = arith.constant 128 : i32
    %add3A_6 = arith.addi %mul3A_2, %add3A_5 : i32
    %add3A_7 = arith.constant 256 : i32
    %add3A_8 = arith.addi %mul3A_2, %add3A_7 : i32
    %add3A_9 = arith.constant 384 : i32
    %add3A_10 = arith.addi %mul3A_2, %add3A_9 : i32
    %dma_start3A = arith.constant 0 : i32
    %dma_start3A_11 = arith.constant 0 : i32
    %dma_start3A_12 = tpu.memref_slice %arg6[%dma_start3A, %dma_start3A_11] : memref<512x128xf32, #tpu.memory_space<vmem>> -> memref<128x128xf32, #tpu.memory_space<vmem>>
    %dma_start3A_13 = arith.constant 0 : i32
    %dma_start3A_14 = tpu.memref_slice %arg5[%dma_start3A_13] : memref<512xi32, #tpu.memory_space<vmem>> -> memref<128xi32, #tpu.memory_space<vmem>>
    %dma_start3A_15 = arith.constant 0 : i32
    %dma_start3A_16 = tpu.memref_slice %arg2[%dma_start3A_15, %add3A_4] : memref<1000x16384xf32, #tpu.memory_space<hbm>> -> memref<1000x128xf32, #tpu.memory_space<hbm>>
    tpu.enqueue_indirect_dma source(%dma_start3A_16 : memref<1000x128xf32, #tpu.memory_space<hbm>>) target(%dma_start3A_12 : memref<128x128xf32, #tpu.memory_space<vmem>>) offsets(%dma_start3A_14 : memref<128xi32, #tpu.memory_space<vmem>>) semaphore(%arg8 : memref<!tpu.dma_semaphore, #tpu.memory_space<semaphore_mem>>)
    %dma_start3A_17 = arith.constant 128 : i32
    %dma_start3A_18 = arith.constant 0 : i32
    %dma_start3A_19 = tpu.memref_slice %arg6[%dma_start3A_17, %dma_start3A_18] : memref<512x128xf32, #tpu.memory_space<vmem>> -> memref<128x128xf32, #tpu.memory_space<vmem>>
    %dma_start3A_20 = arith.constant 128 : i32
    %dma_start3A_21 = tpu.memref_slice %arg5[%dma_start3A_20] : memref<512xi32, #tpu.memory_space<vmem>> -> memref<128xi32, #tpu.memory_space<vmem>>
    %dma_start3A_22 = arith.constant 0 : i32
    %dma_start3A_23 = tpu.memref_slice %arg2[%dma_start3A_22, %add3A_6] : memref<1000x16384xf32, #tpu.memory_space<hbm>> -> memref<1000x128xf32, #tpu.memory_space<hbm>>
    tpu.enqueue_indirect_dma source(%dma_start3A_23 : memref<1000x128xf32, #tpu.memory_space<hbm>>) target(%dma_start3A_19 : memref<128x128xf32, #tpu.memory_space<vmem>>) offsets(%dma_start3A_21 : memref<128xi32, #tpu.memory_space<vmem>>) semaphore(%arg8 : memref<!tpu.dma_semaphore, #tpu.memory_space<semaphore_mem>>)
    %dma_start3A_24 = arith.constant 256 : i32
    %dma_start3A_25 = arith.constant 0 : i32
    %dma_start3A_26 = tpu.memref_slice %arg6[%dma_start3A_24, %dma_start3A_25] : memref<512x128xf32, #tpu.memory_space<vmem>> -> memref<128x128xf32, #tpu.memory_space<vmem>>
    %dma_start3A_27 = arith.constant 256 : i32
    %dma_start3A_28 = tpu.memref_slice %arg5[%dma_start3A_27] : memref<512xi32, #tpu.memory_space<vmem>> -> memref<128xi32, #tpu.memory_space<vmem>>
    %dma_start3A_29 = arith.constant 0 : i32
    %dma_start3A_30 = tpu.memref_slice %arg2[%dma_start3A_29, %add3A_8] : memref<1000x16384xf32, #tpu.memory_space<hbm>> -> memref<1000x128xf32, #tpu.memory_space<hbm>>
    tpu.enqueue_indirect_dma source(%dma_start3A_30 : memref<1000x128xf32, #tpu.memory_space<hbm>>) target(%dma_start3A_26 : memref<128x128xf32, #tpu.memory_space<vmem>>) offsets(%dma_start3A_28 : memref<128xi32, #tpu.memory_space<vmem>>) semaphore(%arg8 : memref<!tpu.dma_semaphore, #tpu.memory_space<semaphore_mem>>)
    %dma_start3A_31 = arith.constant 384 : i32
    %dma_start3A_32 = arith.constant 0 : i32
    %dma_start3A_33 = tpu.memref_slice %arg6[%dma_start3A_31, %dma_start3A_32] : memref<512x128xf32, #tpu.memory_space<vmem>> -> memref<128x128xf32, #tpu.memory_space<vmem>>
    %dma_start3A_34 = arith.constant 384 : i32
    %dma_start3A_35 = tpu.memref_slice %arg5[%dma_start3A_34] : memref<512xi32, #tpu.memory_space<vmem>> -> memref<128xi32, #tpu.memory_space<vmem>>
    %dma_start3A_36 = arith.constant 0 : i32
    %dma_start3A_37 = tpu.memref_slice %arg2[%dma_start3A_36, %add3A_10] : memref<1000x16384xf32, #tpu.memory_space<hbm>> -> memref<1000x128xf32, #tpu.memory_space<hbm>>
    tpu.enqueue_indirect_dma source(%dma_start3A_37 : memref<1000x128xf32, #tpu.memory_space<hbm>>) target(%dma_start3A_33 : memref<128x128xf32, #tpu.memory_space<vmem>>) offsets(%dma_start3A_35 : memref<128xi32, #tpu.memory_space<vmem>>) semaphore(%arg8 : memref<!tpu.dma_semaphore, #tpu.memory_space<semaphore_mem>>)
    %dma_wait3A = arith.constant 0 : i32
    %dma_wait3A_38 = arith.constant 0 : i32
    %dma_wait3A_39 = tpu.memref_slice %arg6[%dma_wait3A, %dma_wait3A_38] : memref<512x128xf32, #tpu.memory_space<vmem>> -> memref<128x128xf32, #tpu.memory_space<vmem>>
    %dma_wait3A_40 = arith.constant 0 : i32
    %dma_wait3A_41 = tpu.memref_slice %arg5[%dma_wait3A_40] : memref<512xi32, #tpu.memory_space<vmem>> -> memref<128xi32, #tpu.memory_space<vmem>>
    %dma_wait3A_42 = arith.constant 0 : i32
    %dma_wait3A_43 = tpu.memref_slice %arg2[%dma_wait3A_42, %add3A_4] : memref<1000x16384xf32, #tpu.memory_space<hbm>> -> memref<1000x128xf32, #tpu.memory_space<hbm>>
    tpu.wait_indirect_dma semaphore(%arg8 : memref<!tpu.dma_semaphore, #tpu.memory_space<semaphore_mem>>) src(%dma_wait3A_43 : memref<1000x128xf32, #tpu.memory_space<hbm>>) dst(%dma_wait3A_39 : memref<128x128xf32, #tpu.memory_space<vmem>>)
    %dma_wait3A_44 = arith.constant 128 : i32
    %dma_wait3A_45 = arith.constant 0 : i32
    %dma_wait3A_46 = tpu.memref_slice %arg6[%dma_wait3A_44, %dma_wait3A_45] : memref<512x128xf32, #tpu.memory_space<vmem>> -> memref<128x128xf32, #tpu.memory_space<vmem>>
    %dma_wait3A_47 = arith.constant 128 : i32
    %dma_wait3A_48 = tpu.memref_slice %arg5[%dma_wait3A_47] : memref<512xi32, #tpu.memory_space<vmem>> -> memref<128xi32, #tpu.memory_space<vmem>>
    %dma_wait3A_49 = arith.constant 0 : i32
    %dma_wait3A_50 = tpu.memref_slice %arg2[%dma_wait3A_49, %add3A_6] : memref<1000x16384xf32, #tpu.memory_space<hbm>> -> memref<1000x128xf32, #tpu.memory_space<hbm>>
    tpu.wait_indirect_dma semaphore(%arg8 : memref<!tpu.dma_semaphore, #tpu.memory_space<semaphore_mem>>) src(%dma_wait3A_50 : memref<1000x128xf32, #tpu.memory_space<hbm>>) dst(%dma_wait3A_46 : memref<128x128xf32, #tpu.memory_space<vmem>>)
    %dma_wait3A_51 = arith.constant 256 : i32
    %dma_wait3A_52 = arith.constant 0 : i32
    %dma_wait3A_53 = tpu.memref_slice %arg6[%dma_wait3A_51, %dma_wait3A_52] : memref<512x128xf32, #tpu.memory_space<vmem>> -> memref<128x128xf32, #tpu.memory_space<vmem>>
    %dma_wait3A_54 = arith.constant 256 : i32
    %dma_wait3A_55 = tpu.memref_slice %arg5[%dma_wait3A_54] : memref<512xi32, #tpu.memory_space<vmem>> -> memref<128xi32, #tpu.memory_space<vmem>>
    %dma_wait3A_56 = arith.constant 0 : i32
    %dma_wait3A_57 = tpu.memref_slice %arg2[%dma_wait3A_56, %add3A_8] : memref<1000x16384xf32, #tpu.memory_space<hbm>> -> memref<1000x128xf32, #tpu.memory_space<hbm>>
    tpu.wait_indirect_dma semaphore(%arg8 : memref<!tpu.dma_semaphore, #tpu.memory_space<semaphore_mem>>) src(%dma_wait3A_57 : memref<1000x128xf32, #tpu.memory_space<hbm>>) dst(%dma_wait3A_53 : memref<128x128xf32, #tpu.memory_space<vmem>>)
    %dma_wait3A_58 = arith.constant 384 : i32
    %dma_wait3A_59 = arith.constant 0 : i32
    %dma_wait3A_60 = tpu.memref_slice %arg6[%dma_wait3A_58, %dma_wait3A_59] : memref<512x128xf32, #tpu.memory_space<vmem>> -> memref<128x128xf32, #tpu.memory_space<vmem>>
    %dma_wait3A_61 = arith.constant 384 : i32
    %dma_wait3A_62 = tpu.memref_slice %arg5[%dma_wait3A_61] : memref<512xi32, #tpu.memory_space<vmem>> -> memref<128xi32, #tpu.memory_space<vmem>>
    %dma_wait3A_63 = arith.constant 0 : i32
    %dma_wait3A_64 = tpu.memref_slice %arg2[%dma_wait3A_63, %add3A_10] : memref<1000x16384xf32, #tpu.memory_space<hbm>> -> memref<1000x128xf32, #tpu.memory_space<hbm>>
    tpu.wait_indirect_dma semaphore(%arg8 : memref<!tpu.dma_semaphore, #tpu.memory_space<semaphore_mem>>) src(%dma_wait3A_64 : memref<1000x128xf32, #tpu.memory_space<hbm>>) dst(%dma_wait3A_60 : memref<128x128xf32, #tpu.memory_space<vmem>>)
    %iota3A = tpu.iota {dimensions = array<i32: 0>} : vector<16xi32>
    %scan3A = arith.constant 0 : i32
    %scan3A_65 = arith.constant 32 : i32
    %scan3A_66 = arith.addi %scan3A, %scan3A_65 : i32
    %scan3A_67 = arith.constant 1 : i32
    scf.for %scan3A_69 = %scan3A to %scan3A_66 step %scan3A_67  : i32 {
      %mul3A_70 = arith.constant 16 : i32
      %mul3A_71 = arith.muli %scan3A_69, %mul3A_70 : i32
      %add3A_72 = vector.broadcast %mul3A_71 : i32 to vector<16xi32>
      %add3A_73 = arith.addi %add3A_72, %iota3A : vector<16xi32>
      %and3A = arith.constant 127 : i32
      %and3A_74 = vector.broadcast %and3A : i32 to vector<16xi32>
      %and3A_75 = arith.andi %add3A_73, %and3A_74 : vector<16xi32>
      %gather3A = tpu.vector_load_idx %arg6[%add3A_73, %and3A_75] : memref<512x128xf32, #tpu.memory_space<vmem>>[vector<16xi32>, vector<16xi32>], vector<16xf32>,
      %mul3A_76 = arith.constant 1.000000e-01 : f32
      %mul3A_77 = vector.broadcast %mul3A_76 : f32 to vector<16xf32>
      %mul3A_78 = arith.mulf %gather3A, %mul3A_77 : vector<16xf32>
      %abs3A = math.absf %mul3A_78 : vector<16xf32>
      %exp3A = math.exp %abs3A : vector<16xf32>
      %sub3A = arith.constant 1.000000e+00 : f32
      %sub3A_79 = vector.broadcast %sub3A : f32 to vector<16xf32>
      %sub3A_80 = arith.subf %exp3A, %sub3A_79 : vector<16xf32>
      %mul3A_81 = arith.constant 16 : i32
      %mul3A_82 = arith.muli %scan3A_69, %mul3A_81 : i32
      %swap3A = arith.index_cast %mul3A_82 : i32 to index
      %swap3A_83 = tpu.vector_load %arg7[%swap3A] {strides = array<i32>} : memref<512xf32, #tpu.memory_space<vmem>>, vector<16xf32>,
      tpu.vector_store %arg7[%swap3A], %sub3A_80 {strides = array<i32>} : memref<512xf32, #tpu.memory_space<vmem>>, vector<16xf32>,
    }
    %scan3A_68 = arith.constant 32 : i32
    "tpu.region"() ({
      %run_scoped3A = tpu.sem_alloc : memref<!tpu.dma_semaphore, #tpu.memory_space<semaphore_mem>>
      %dma_start3A_69 = tpu.memref_slice %arg4[%mul3A_2] : memref<16384xf32, #tpu.memory_space<hbm>> -> memref<512xf32, #tpu.memory_space<hbm>>
      %dma_start3A_70 = tpu.memref_slice %arg4[%mul3A_2] : memref<16384xf32, #tpu.memory_space<hbm>> -> memref<512xf32, #tpu.memory_space<hbm>>
      tpu.enqueue_dma source(%arg7 : memref<512xf32, #tpu.memory_space<vmem>>) target(%dma_start3A_70 : memref<512xf32, #tpu.memory_space<hbm>>) target_semaphore(%run_scoped3A : memref<!tpu.dma_semaphore, #tpu.memory_space<semaphore_mem>>)
      %dma_wait3A_71 = tpu.memref_slice %arg4[%mul3A_2] : memref<16384xf32, #tpu.memory_space<hbm>> -> memref<512xf32, #tpu.memory_space<hbm>>
      %dma_wait3A_72 = tpu.memref_slice %arg4[%mul3A_2] : memref<16384xf32, #tpu.memory_space<hbm>> -> memref<512xf32, #tpu.memory_space<hbm>>
      tpu.wait_dma2 semaphore(%run_scoped3A : memref<!tpu.dma_semaphore, #tpu.memory_space<semaphore_mem>>) src(%arg7 : memref<512xf32, #tpu.memory_space<vmem>>) dst(%dma_wait3A_72 : memref<512xf32, #tpu.memory_space<hbm>>)
      tpu.yield
    }) : () -> ()
    return
  }
}

</mosaic_0001>

<sc_bundles>
// kernel: kernel.3.cloned.1.call-start
scs
__scs_entry_jumppad:
0x0: {  	(pc) =	sbr.rel $0x88, $3  }
0x1: {  	(tag) =	ssettag $0x0;
	lr =	simm.s32 $0x1  }
0x2: {  	[smem:$0x3F9F] =	sst lr;
	_ =	strace $0xD0000000  }
0x3: {  	_ = 	snop  }
0x4: {  	_ = 	snop  }
0x5: {  	_ = 	snop  }
0x6: {  	_ = 	snop  }
0x7: {  	_ = 	snop  }
__scs_overlays_trampoline_lowered:
0x8: {  	[smem:$0x3FAE] =	sst s0  }
0x9: {  	[smem:$0x3FAF] =	sst s1  }
0xa: {  	[smem:$0x3FB0] =	sst s2  }
0xb: {  	[smem:$0x3FB1] =	sst s3  }
0xc: {  	[smem:$0x3FB2] =	sst s4  }
0xd: {  	[smem:$0x3FB3] =	sst s5  }
0xe: {  	[smem:$0x3FB4] =	sst s6  }
0xf: {  	[smem:$0x3FB5] =	sst s7  }
0x10: {  	[smem:$0x3FB6] =	sst s8  }
0x11: {  	[smem:$0x3FB7] =	sst s9;
	s0 =	simm.s32 @!p0 $0x0  }
0x12: {  	s1 =	sld [smem:$0x3F9D];
	s0 =	simm.s32 @p0 $0x1  }
0x13: {  	[smem:$0x3FB8] =	sst s0;
	s0 =	simm.s32 @!p1 $0x0  }
0x14: {  	s2 =	sld [smem:$0x3F9C];
	s0 =	simm.s32 @p1 $0x1  }
0x15: {  	[smem:$0x3FB9] =	sst s0;
	s0 =	simm.s32 @!p2 $0x0  }
0x16: {  	s3 =	sld [smem:$0x3FDB];
	s0 =	simm.s32 @p2 $0x1  }
0x17: {  	s4 =	simm.s32 $0x1BF5;
	[smem:$0x3FBB] =	sst s0  }
0x18: {  	s0 =	sld [smem:$0x3F9E];
	_ =	swait.ge [sflag:s4], $0x0  }
0x19: {  	s7 =	sld [smem:$0x3F9F]  }
0x1a: {  	s8 =	sadd.s32 $0xFFFFE003, lr  }
0x1b: {  	s9 =	sadd.s32 $0xFFFFFEF7, lr;
	s5 =	simm.s32 $0xFFFFFFFF;
	p2 =	slt.u32 s8, $0xFFFFF086  }
0x1c: {  	p1 =	slt.u32 s9, $0xF7A;
	s5 =	simm.s32 @!p2 $0x0  }
0x1d: {  	s5 =	simm.s32 @p1 $0x1;
	p0 =	seq.s32 s7, s2  }
0x1e: {  	s7 =	smul.u32 @!p0 $0xF7A, s2;
	p2 =	seq.s32 @!p0 s5, $0x0  }
0x1f: {  	s9 =	smul.u32 $0xF7A, s1;
	s8 =	simm.s32 @!p0 $0x1BF5;
	p2 =	por !p2, p0  }
0x20: {  	[sflag:s8] =	ssyncset.s32 @!p0 $0xFFFFF086;
	s6 =	sadd.s32 @!p0 s3, s7;
	s7 =	simm.s32 @!p0 $0x108  }
0x21: {  	s3 =	sadd.s32 s3, s9;
	s6 =	sadd.s32 @!p0 $0x88, s6;
	s7 =	simm.s32 @p2 $0x1082  }
0x22: {  	[simem:s7], [sflag:s8] =	dma.local @!p0 [hbm:s6], $0xF7A  }
0x23: {  	s9 =	sor.u32 $0xD0000000, s2;
	s6 =	simm.s32 $0x108;
	_ =	swait.ge @!p0 [sflag:s8], $0x0  }
0x24: {  	s3 =	sadd.s32 $0x88, s3;
	s6 =	simm.s32 @!p1 $0x1082;
	[sflag:s4] =	ssyncset.s32 $0xFFFFF086  }
0x25: {  	[simem:s6], [sflag:s4] =	dma.local [hbm:s3], $0xF7A  }
0x26: {  	[smem:$0x3F9F] =	sst s1;
	(tag) =	ssettag s2;
	_ =	strace s9  }
0x27: {  	s1 =	sld [smem:$0x3FAF]  }
0x28: {  	s2 =	sld [smem:$0x3FB0]  }
0x29: {  	s4 =	sld [smem:$0x3FB2]  }
0x2a: {  	p0 =	seq.s32 s5, $0x0;
	s5 =	sld [smem:$0x3FB3]  }
0x2b: {  	s6 =	sld [smem:$0x3FB4]  }
0x2c: {  	s7 =	sld [smem:$0x3FB5]  }
0x2d: {  	s3 =	simm.s32 $0x108;
	s8 =	sld [smem:$0x3FB6]  }
0x2e: {  	s3 =	simm.s32 @!p0 $0x1082;
	s9 =	sld [smem:$0x3FB7]  }
0x2f: {  	lr =	sadd.s32 s0, s3;
	s0 =	sld [smem:$0x3FAE]  }
0x30: {  	s3 =	sld [smem:$0x3FB1]  }
0x31: {  	[smem:$0x3FBA] =	sst s10  }
0x32: {  	s10 =	sld [smem:$0x3FB8];
	_ =	sdelay $0x3  }
0x33: {  	p0 =	seq.s32 s10, $0x1;
	s10 =	sld [smem:$0x3FBA];
	_ =	sdelay $0x3  }
0x34: {  	[smem:$0x3FBA] =	sst s10  }
0x35: {  	s10 =	sld [smem:$0x3FB9];
	_ =	sdelay $0x3  }
0x36: {  	p1 =	seq.s32 s10, $0x1;
	s10 =	sld [smem:$0x3FBA];
	_ =	sdelay $0x3  }
0x37: {  	[smem:$0x3FBA] =	sst s10  }
0x38: {  	s10 =	sld [smem:$0x3FBB]  }
0x39: {  	_ = 	snop;
	(pc) =	sbr.ind lr, $3  }
0x3a: {  	_ = 	snop  }
0x3b: {  	_ = 	snop  }
0x3c: {  	p2 =	seq.s32 s10, $0x1;
	s10 =	sld [smem:$0x3FBA]  }
0x3d: {  	_ =	shalt  }
0x3e: {  	_ =	shalt  }
0x3f: {  	_ =	shalt  }
0x40: {  	_ =	shalt  }
0x41: {  	_ =	shalt  }
0x42: {  	_ =	shalt  }
0x43: {  	_ =	shalt  }
0x44: {  	_ =	shalt  }
0x45: {  	_ =	shalt  }
0x46: {  	_ =	shalt  }
0x47: {  	_ =	shalt  }
0x48: {  	_ =	shalt  }
0x49: {  	_ =	shalt  }
0x4a: {  	_ =	shalt  }
0x4b: {  	_ =	shalt  }
0x4c: {  	_ =	shalt  }
0x4d: {  	_ =	shalt  }
0x4e: {  	_ =	shalt  }
0x4f: {  	_ =	shalt  }
0x50: {  	_ =	shalt  }
0x51: {  	_ =	shalt  }
0x52: {  	_ =	shalt  }
0x53: {  	_ =	shalt  }
0x54: {  	_ =	shalt  }
0x55: {  	_ =	shalt  }
0x56: {  	_ =	shalt  }
0x57: {  	_ =	shalt  }
0x58: {  	_ =	shalt  }
0x59: {  	_ =	shalt  }
0x5a: {  	_ =	shalt  }
0x5b: {  	_ =	shalt  }
0x5c: {  	_ =	shalt  }
0x5d: {  	_ =	shalt  }
0x5e: {  	_ =	shalt  }
0x5f: {  	_ =	shalt  }
0x60: {  	_ =	shalt  }
0x61: {  	_ =	shalt  }
0x62: {  	_ =	shalt  }
0x63: {  	_ =	shalt  }
0x64: {  	_ =	shalt  }
0x65: {  	_ =	shalt  }
0x66: {  	_ =	shalt  }
0x67: {  	_ =	shalt  }
0x68: {  	_ =	shalt  }
0x69: {  	_ =	shalt  }
0x6a: {  	_ =	shalt  }
0x6b: {  	_ =	shalt  }
0x6c: {  	_ =	shalt  }
0x6d: {  	_ =	shalt  }
0x6e: {  	_ =	shalt  }
0x6f: {  	_ =	shalt  }
0x70: {  	_ =	shalt  }
0x71: {  	_ =	shalt  }
0x72: {  	_ =	shalt  }
0x73: {  	_ =	shalt  }
0x74: {  	_ =	shalt  }
0x75: {  	_ =	shalt  }
0x76: {  	_ =	shalt  }
0x77: {  	_ =	shalt  }
0x78: {  	_ =	shalt  }
0x79: {  	_ =	shalt  }
0x7a: {  	_ =	shalt  }
0x7b: {  	_ =	shalt  }
0x7c: {  	_ =	shalt  }
0x7d: {  	_ =	shalt  }
0x7e: {  	_ =	shalt  }
0x7f: {  	_ =	shalt  }
0x80: {  	_ =	shalt  }
0x81: {  	_ =	shalt  }
0x82: {  	_ =	shalt  }
0x83: {  	_ =	shalt  }
0x84: {  	_ =	shalt  }
0x85: {  	_ =	shalt  }
0x86: {  	_ =	shalt  }
0x87: {  	_ =	shalt  }
.Lfunc_end0:
.L_simem_size_0:
called_computation_lowered:
.L_overlay_start_0:
0x88: {  	s2 =	sld [smem:$0x3FD9]  }
0x89: {  	s3 =	sld [smem:$0x3FFE];
	_ =	sdelay $0x1  }
0x8a: {  	s1 =	srdreg.scid  }
0x8b: {  	s0 =	sand.u32 $0x1, s1  }
0x8c: {  	s18 =	sshll.u32 s0, $0xA;
	s2 =	sadd.s32 s3, s2  }
0x8d: {  	s2 =	sadd.s32 s2, s18  }
0x8e: {  	[smem:$0x3FC6] =	sst s2  }
0x8f: {  	_ = 	snop  }
0x90: {  	s2 =	sld [smem:$0x3FC9]  }
0x91: {  	s19 =	sld [smem:$0x3FC8]  }
0x92: {  	s4 =	sld [smem:$0x3FD0];
	(tm) =	ssettm $0x1  }
0x93: {  	s5 =	sld [smem:$0x3FFB];
	_ =	sdelay $0x3  }
0x94: {  	_ =	strace s5  }
0x95: {  	s5 =	sld [smem:$0x3FFC];
	_ =	sdelay $0x3  }
0x96: {  	_ =	strace s5  }
0x97: {  	s5 =	sld [smem:$0x3FFD];
	_ =	sdelay $0x3  }
0x98: {  	_ =	strace s5  }
0x99: {  	_ =	strace $0x8FFFFFFF  }
0x9a: {  	s20 =	sld [smem:$0x3FDB];
	_ =	sdelay $0x1  }
0x9b: {  	s6 =	simm.s32 $_scs_section_size  }
0x9c: {  	s7 =	simm.s32 $_size__tile_overlayer_lowered;
	s8 =	simm.s32 $_tile_overlayer_lowered  }
0x9d: {  	s23 =	simm.s32 $0x1BFF;
	s22 =	sshll.u32 s8, $0x1;
	s5 =	sadd.s32 s6, s20  }
0x9e: {  	s9 =	simm.s32 $0x0;
	s21 =	sshll.u32 s7, $0x1;
	s7 =	sadd.s32 s22, s5  }
0x9f: {  	[timem:s9], [sflag:s23] =	dma.local [hbm:s7], s21  }
0xa0: {  	_ =	swait.ge [sflag:s23], s21  }
0xa1: {  	s6 =	ssub.s32 $0x0, s21;
	[sflag:s23] =	ssyncset.done $0x0  }
0xa2: {  	[sflag:s23] =	ssyncadd.s32 s6;
	_ =	sdelay $0x1  }
0xa3: {  	s24 =	simm.s32 $0x1B8B  }
0xa4: {  	_ =	swait.ge [sflag:s24], $0x1  }
0xa5: {  	[sflag:s24] =	ssyncset.done $0x0  }
0xa6: {  	s25 =	simm.s32 $0x1B8E;
	[sflag:s24] =	ssyncadd.s32 $0xFFFFFFFF  }
0xa7: {  	s26 =	simm.s32 $execute0_lowered;
	[smem:$0x3FD2] =	sst s25  }
0xa8: {  	s6 =	sshll.u32 s26, $0x1;
	_ =	strace $0x80000046;
	[dreg:$0x1] =	wrdreg $0xFFFFFFFF  }
0xa9: {  	s28 =	simm.s32 $_size_execute0_lowered;
	s5 =	sadd.s32 s5, s6;
	[dreg:$0x0] =	wrdreg $0x0  }
0xaa: {  	s6 =	sshll.u32 s28, $0x1;
	[dreg:$0x2] =	wrdreg s5  }
0xab: {  	[dreg:$0x3] =	wrdreg s6  }
0xac: {  	[dreg:$0x4] =	wrdreg $0xC0  }
0xad: {  	_ =	task [dreg:s9], $0x5FFFF  }
0xae: {  	[dreg:$0x1] =	wrdreg $0xFFFFFFFF  }
0xaf: {  	[dreg:$0x0] =	wrdreg $0x60  }
0xb0: {  	[dreg:$0x2] =	wrdreg s2  }
0xb1: {  	[dreg:$0x3] =	wrdreg s19  }
0xb2: {  	[dreg:$0x4] =	wrdreg s4  }
0xb3: {  	[dreg:$0x5] =	wrdreg $0x9  }
0xb4: {  	_ =	task.clear_ibuf [dreg:s9], $0x6FFFF;
	_ =	strace $0x90000046  }
0xb5: {  	s29 =	simm.s32 $0x9;
	_ =	strace $0x80000048  }
0xb6: {  	_ =	swait.ge [sflag:s29], $0x1  }
0xb7: {  	[sflag:s29] =	ssyncadd.s32 $0xFFFFFFFF  }
0xb8: {  	_ =	strace $0x90000048  }
0xb9: {  	_ =	sfence  }
0xba: {  	s30 =	sld [smem:$0x0];
	_ =	sdelay $0x2  }
0xbb: {  	s31 =	sshll.u32 s1, $0xD;
	s1 =	sshrl.u32 s1, $0x2  }
0xbc: {  	s3 =	sand.u32 $0x4000, s31;
	s1 =	sadd.s32 s1, s30  }
0xbd: {  	s0 =	sor.u32 s3, s0;
	s1 =	sshll.u32 s1, $0x11  }
0xbe: {  	s0 =	sor.u32 s1, s0  }
0xbf: {  	s0 =	sadd.s32 $0x8F2B, s0  }
0xc0: {  	[sflag:s0] =	ssyncadd.remote.s32 $0x1  }
0xc1: {  	_ =	sfence.sel $0xFFFF  }
0xc2: {  	[dreg:$0x0] =	wrdreg $0xFFFFFFFF;
	(pc) =	sbr.abs _section_cstart, $3  }
0xc3: {  	[dreg:$0x1] =	wrdreg $0xFFFFFFFF  }
0xc4: {  	_ =	task.clear_ibuf [dreg:s9], $0x2FFFF;
	_ =	strace $0x9FFFFFFF  }
0xc5: {  	(tm) =	ssettm $0x7FFFFFFF  }
tec
execute0_lowered:
.L_overlay_start_1:
0x0: {  	(tag) =	ssettag $0x1  }
0x1: {  	s0 =	rddreg [dreg:$0x0]  }
0x2: {  	s1 =	rddreg [dreg:$0x1]  }
0x3: {  	s8 =	rddreg [dreg:$0x2];
	s2 =	simm.s32 $0x0;
	s3 =	srdreg.scid  }
0x4: {  	s5 =	stileid.u32;
	s11 =	simm.s32 $0x200;
	s24 =	simm.s32 $0x10080  }
0x5: {  	s25 =	simm.s32 $0x10000;
	s26 =	simm.s32 $0xFF00;
	s28 =	simm.s32 $0xFF80  }
0x6: {  	s29 =	simm.s32 $0xFD80;
	s30 =	simm.s32 $0xFE80;
	s31 =	simm.s32 $0xFE00  }
0x7: {  	s12 =	simm.s32 $0xFC80;
	s13 =	simm.s32 $0xFA80;
	s14 =	simm.s32 $0xFB80  }
0x8: {  	s15 =	simm.s32 $0xFB00;
	s16 =	simm.s32 $0xF880;
	s17 =	simm.s32 $0xF900  }
0x9: {  	s18 =	simm.s32 $0xF980;
	s19 =	simm.s32 $0x1;
	s20 =	simm.s32 $0x10200  }
0xa: {  	v0 =	vlaneseq.u32;
	s21 =	simm.s32 $0x0;
	[smem:$0x7FF] =	sst s2;
	s3 =	sand.u32 $0x1, s3  }
0xb: {  	v1 =	vimm.s32 $0x7;
	v2 =	vimm.s32 $0x0;
	vm0 =	vmmov $0x1;
	s5 =	sshll.u32 s5, $0xA;
	s4 =	ssub.s32 $0x2, s3;
	s3 =	sshll.u32 s3, $0x9  }
0xc: {  	v4 =	vimm.s32 $0x1;
	v5 =	vimm.s32 $0x2;
	v6 =	vimm.s32 $0x3;
	_ =	strace $0x80000047;
	s6 =	sshrl.u32 s4, $0x1;
	s3 =	sor.u32 s3, s5  }
0xd: {  	v7 =	vimm.s32 $0x4;
	v8 =	vimm.s32 $0x5;
	v9 =	vimm.s32 $0x6;
	s9 =	ssub.s32 s4, s6;
	s10 =	sshrl.u32 s3, $0x3;
	s3 =	sadd.s32 s0, s3  }
0xe: {  	v10 =	vimm.s32 $0x8;
	v11 =	vimm.s32 $0x9;
	v12 =	vimm.s32 $0xA;
	s0 =	simm.s32 $0xFC00;
	s4 =	sadd.s32 s1, s10;
	s5 =	sadd.s32 $0x80, s3  }
0xf: {  	v13 =	vimm.s32 $0xB;
	v14 =	vimm.s32 $0xC;
	v15 =	vimm.s32 $0xD;
	s6 =	sadd.s32 $0x100, s3;
	s7 =	sadd.s32 $0x180, s3;
	s8 =	sadd.s32 s8, s10  }
0x10: {  	v16 =	vimm.s32 $0xE;
	v17 =	vimm.s32 $0xF;
	v3 =	vmul.u32 $0x8, v0;
	s9 =	smax.u32 s9, $0x1;
	s10 =	simm.s32 $0x2;
	s1 =	simm.s32 $0xFD00  }
.LBB2_1:
0x11: {  	[tilespmem:s2], [sflag:$0x2] =	stream.linear.gather [hbm4b:s4+s2], $0x200, $0x38;
	[tilespmem:$0x10400] =	vst v63  }
0x12: {  	_ =	swait.ge [sflag:s10], $0x200  }
0x13: {  	[sflag:s10] =	ssyncset.done $0x0  }
0x14: {  	[sflag:s10] =	ssyncadd.s32 $0xFFFFFE00  }
0x15: {  	v18 =	vld [tilespmem:$0x0];
	_ =	sdelay $0x4  }
0x16: {  	v19 =	vshll.u32 v18, $0x7  }
0x17: {  	v18 =	vand.u32 $0x7, v18;
	v19 =	vand.u32 $0xFFFFFC00, v19  }
0x18: {  	v18 =	vor.u32 v18, v19  }
0x19: {  	v19 =	vperm.xlane v18, v2;
	_ =	sdelay $0x1  }
0x1a: {  	v20 =	vperm.xlane v18, v4;
	v19 =	vadd.s32 v3, v19;
	_ =	sdelay $0x1  }
0x1b: {  	v21 =	vperm.xlane v18, v5;
	v20 =	vadd.s32 v3, v20;
	_ =	sdelay $0x1  }
0x1c: {  	v22 =	vperm.xlane v18, v6;
	v21 =	vadd.s32 v3, v21  }
0x1d: {  	[tilespmem:s11], [sflag:$0x1] =	stream.indirect_vreg.gather [hbm4b:s3+s2], $0x80, v19, vm0, $0xb8;
	[tilespmem:$0x10400] =	vst v63  }
0x1e: {  	s22 =	simm.s32 $0x280;
	v42 =	vperm.xlane v18, v7;
	v19 =	vadd.s32 v3, v22  }
0x1f: {  	[tilespmem:s22], [sflag:$0x1] =	stream.indirect_vreg.gather [hbm4b:s3+s2], $0x80, v20, vm0, $0xb8;
	[tilespmem:$0x10400] =	vst v63  }
0x20: {  	s23 =	simm.s32 $0x300;
	v43 =	vperm.xlane v18, v8;
	v20 =	vadd.s32 v3, v42  }
0x21: {  	[tilespmem:s23], [sflag:$0x1] =	stream.indirect_vreg.gather [hbm4b:s3+s2], $0x80, v21, vm0, $0xb8;
	[tilespmem:$0x10400] =	vst v63  }
0x22: {  	v45 =	vperm.xlane v18, v9;
	v44 =	vadd.s32 v3, v43;
	s23 =	simm.s32 $0x380  }
0x23: {  	[tilespmem:s23], [sflag:$0x1] =	stream.indirect_vreg.gather [hbm4b:s3+s2], $0x80, v19, vm0, $0xb8;
	[tilespmem:$0x10400] =	vst v63  }
0x24: {  	v46 =	vperm.xlane v18, v1;
	v19 =	vadd.s32 v3, v45;
	s23 =	simm.s32 $0x400  }
0x25: {  	[tilespmem:s23], [sflag:$0x1] =	stream.indirect_vreg.gather [hbm4b:s3+s2], $0x80, v20, vm0, $0xb8;
	[tilespmem:$0x10400] =	vst v63  }
0x26: {  	v47 =	vperm.xlane v18, v10;
	v20 =	vadd.s32 v3, v46;
	s23 =	simm.s32 $0x480  }
0x27: {  	[tilespmem:s23], [sflag:$0x1] =	stream.indirect_vreg.gather [hbm4b:s3+s2], $0x80, v44, vm0, $0xb8;
	[tilespmem:$0x10400] =	vst v63  }
0x28: {  	v49 =	vperm.xlane v18, v11;
	v48 =	vadd.s32 v3, v47;
	s23 =	simm.s32 $0x500  }
0x29: {  	[tilespmem:s23], [sflag:$0x1] =	stream.indirect_vreg.gather [hbm4b:s3+s2], $0x80, v19, vm0, $0xb8;
	[tilespmem:$0x10400] =	vst v63  }
0x2a: {  	v50 =	vperm.xlane v18, v12;
	v19 =	vadd.s32 v3, v49;
	s23 =	simm.s32 $0x580  }
0x2b: {  	[tilespmem:s23], [sflag:$0x1] =	stream.indirect_vreg.gather [hbm4b:s3+s2], $0x80, v20, vm0, $0xb8;
	[tilespmem:$0x10400] =	vst v63  }
0x2c: {  	v51 =	vperm.xlane v18, v13;
	v20 =	vadd.s32 v3, v50;
	s23 =	simm.s32 $0x600  }
0x2d: {  	[tilespmem:s23], [sflag:$0x1] =	stream.indirect_vreg.gather [hbm4b:s3+s2], $0x80, v48, vm0, $0xb8;
	[tilespmem:$0x10400] =	vst v63  }
0x2e: {  	v53 =	vperm.xlane v18, v14;
	v52 =	vadd.s32 v3, v51;
	s23 =	simm.s32 $0x680  }
0x2f: {  	[tilespmem:s23], [sflag:$0x1] =	stream.indirect_vreg.gather [hbm4b:s3+s2], $0x80, v19, vm0, $0xb8;
	[tilespmem:$0x10400] =	vst v63  }
0x30: {  	v54 =	vperm.xlane v18, v15;
	v19 =	vadd.s32 v3, v53;
	s23 =	simm.s32 $0x700  }
0x31: {  	[tilespmem:s23], [sflag:$0x1] =	stream.indirect_vreg.gather [hbm4b:s3+s2], $0x80, v20, vm0, $0xb8;
	[tilespmem:$0x10400] =	vst v63  }
0x32: {  	v55 =	vperm.xlane v18, v16;
	v20 =	vadd.s32 v3, v54;
	s23 =	simm.s32 $0x780  }
0x33: {  	[tilespmem:s23], [sflag:$0x1] =	stream.indirect_vreg.gather [hbm4b:s3+s2], $0x80, v52, vm0, $0xb8;
	[tilespmem:$0x10400] =	vst v63  }
0x34: {  	v18 =	vperm.xlane v18, v17;
	v56 =	vadd.s32 v3, v55;
	s23 =	simm.s32 $0x800  }
0x35: {  	[tilespmem:s23], [sflag:$0x1] =	stream.indirect_vreg.gather [hbm4b:s3+s2], $0x80, v19, vm0, $0xb8;
	[tilespmem:$0x10400] =	vst v63  }
0x36: {  	v18 =	vadd.s32 v3, v18;
	s23 =	simm.s32 $0x880  }
0x37: {  	[tilespmem:s23], [sflag:$0x1] =	stream.indirect_vreg.gather [hbm4b:s3+s2], $0x80, v20, vm0, $0xb8;
	[tilespmem:$0x10400] =	vst v63  }
0x38: {  	s23 =	simm.s32 $0x900  }
0x39: {  	[tilespmem:s23], [sflag:$0x1] =	stream.indirect_vreg.gather [hbm4b:s3+s2], $0x80, v56, vm0, $0xb8;
	[tilespmem:$0x10400] =	vst v63  }
0x3a: {  	s23 =	simm.s32 $0x980  }
0x3b: {  	[tilespmem:s23], [sflag:$0x1] =	stream.indirect_vreg.gather [hbm4b:s3+s2], $0x80, v18, vm0, $0xb8;
	[tilespmem:$0x10400] =	vst v63  }
0x3c: {  	v18 =	vld [tilespmem:$0x10];
	_ =	sdelay $0x4  }
0x3d: {  	v19 =	vshll.u32 v18, $0x7  }
0x3e: {  	v18 =	vand.u32 $0x7, v18;
	v19 =	vand.u32 $0xFFFFFC00, v19  }
0x3f: {  	v18 =	vor.u32 v18, v19  }
0x40: {  	v19 =	vperm.xlane v18, v2;
	_ =	sdelay $0x1  }
0x41: {  	v20 =	vperm.xlane v18, v4;
	v19 =	vadd.s32 v3, v19;
	_ =	sdelay $0x1  }
0x42: {  	v57 =	vperm.xlane v18, v5;
	v20 =	vadd.s32 v3, v20;
	_ =	sdelay $0x1  }
0x43: {  	s23 =	simm.s32 $0xA00;
	v58 =	vperm.xlane v18, v6;
	v21 =	vadd.s32 v3, v57  }
0x44: {  	[tilespmem:s23], [sflag:$0x1] =	stream.indirect_vreg.gather [hbm4b:s3+s2], $0x80, v19, vm0, $0xb8;
	[tilespmem:$0x10400] =	vst v63  }
0x45: {  	v59 =	vperm.xlane v18, v7;
	v19 =	vadd.s32 v3, v58;
	s23 =	simm.s32 $0xA80  }
0x46: {  	[tilespmem:s23], [sflag:$0x1] =	stream.indirect_vreg.gather [hbm4b:s3+s2], $0x80, v20, vm0, $0xb8;
	[tilespmem:$0x10400] =	vst v63  }
0x47: {  	v60 =	vperm.xlane v18, v8;
	v20 =	vadd.s32 v3, v59;
	s23 =	simm.s32 $0xB00  }
0x48: {  	[tilespmem:s23], [sflag:$0x1] =	stream.indirect_vreg.gather [hbm4b:s3+s2], $0x80, v21, vm0, $0xb8;
	[tilespmem:$0x10400] =	vst v63  }
0x49: {  	v62 =	vperm.xlane v18, v9;
	v61 =	vadd.s32 v3, v60;
	s23 =	simm.s32 $0xB80  }
0x4a: {  	[tilespmem:s23], [sflag:$0x1] =	stream.indirect_vreg.gather [hbm4b:s3+s2], $0x80, v19, vm0, $0xb8;
	[tilespmem:$0x10400] =	vst v63  }
0x4b: {  	v63 =	vperm.xlane v18, v1;
	v19 =	vadd.s32 v3, v62;
	s23 =	simm.s32 $0xC00  }
0x4c: {  	[tilespmem:s23], [sflag:$0x1] =	stream.indirect_vreg.gather [hbm4b:s3+s2], $0x80, v20, vm0, $0xb8;
	[tilespmem:$0x10400] =	vst v63  }
0x4d: {  	v24 =	vperm.xlane v18, v10;
	v20 =	vadd.s32 v3, v63;
	s23 =	simm.s32 $0xC80  }
0x4e: {  	[tilespmem:s23], [sflag:$0x1] =	stream.indirect_vreg.gather [hbm4b:s3+s2], $0x80, v61, vm0, $0xb8;
	[tilespmem:$0x10400] =	vst v63  }
0x4f: {  	v26 =	vperm.xlane v18, v11;
	v25 =	vadd.s32 v3, v24;
	s23 =	simm.s32 $0xD00  }
0x50: {  	[tilespmem:s23], [sflag:$0x1] =	stream.indirect_vreg.gather [hbm4b:s3+s2], $0x80, v19, vm0, $0xb8;
	[tilespmem:$0x10400] =	vst v63  }
0x51: {  	v27 =	vperm.xlane v18, v12;
	v19 =	vadd.s32 v3, v26;
	s23 =	simm.s32 $0xD80  }
0x52: {  	[tilespmem:s23], [sflag:$0x1] =	stream.indirect_vreg.gather [hbm4b:s3+s2], $0x80, v20, vm0, $0xb8;
	[tilespmem:$0x10400] =	vst v63  }
0x53: {  	v28 =	vperm.xlane v18, v13;
	v20 =	vadd.s32 v3, v27;
	s23 =	simm.s32 $0xE00  }
0x54: {  	[tilespmem:s23], [sflag:$0x1] =	stream.indirect_vreg.gather [hbm4b:s3+s2], $0x80, v25, vm0, $0xb8;
	[tilespmem:$0x10400] =	vst v63  }
0x55: {  	v30 =	vperm.xlane v18, v14;
	v29 =	vadd.s32 v3, v28;
	s23 =	simm.s32 $0xE80  }
0x56: {  	[tilespmem:s23], [sflag:$0x1] =	stream.indirect_vreg.gather [hbm4b:s3+s2], $0x80, v19, vm0, $0xb8;
	[tilespmem:$0x10400] =	vst v63  }
0x57: {  	v31 =	vperm.xlane v18, v15;
	v19 =	vadd.s32 v3, v30;
	s23 =	simm.s32 $0xF00  }
0x58: {  	[tilespmem:s23], [sflag:$0x1] =	stream.indirect_vreg.gather [hbm4b:s3+s2], $0x80, v20, vm0, $0xb8;
	[tilespmem:$0x10400] =	vst v63  }
0x59: {  	v32 =	vperm.xlane v18, v16;
	v20 =	vadd.s32 v3, v31;
	s23 =	simm.s32 $0xF80  }
0x5a: {  	[tilespmem:s23], [sflag:$0x1] =	stream.indirect_vreg.gather [hbm4b:s3+s2], $0x80, v29, vm0, $0xb8;
	[tilespmem:$0x10400] =	vst v63  }
0x5b: {  	v18 =	vperm.xlane v18, v17;
	v33 =	vadd.s32 v3, v32;
	s23 =	simm.s32 $0x1000  }
0x5c: {  	[tilespmem:s23], [sflag:$0x1] =	stream.indirect_vreg.gather [hbm4b:s3+s2], $0x80, v19, vm0, $0xb8;
	[tilespmem:$0x10400] =	vst v63  }
0x5d: {  	v18 =	vadd.s32 v3, v18;
	s23 =	simm.s32 $0x1080  }
0x5e: {  	[tilespmem:s23], [sflag:$0x1] =	stream.indirect_vreg.gather [hbm4b:s3+s2], $0x80, v20, vm0, $0xb8;
	[tilespmem:$0x10400] =	vst v63  }
0x5f: {  	s23 =	simm.s32 $0x1100  }
0x60: {  	[tilespmem:s23], [sflag:$0x1] =	stream.indirect_vreg.gather [hbm4b:s3+s2], $0x80, v33, vm0, $0xb8;
	[tilespmem:$0x10400] =	vst v63  }
0x61: {  	s23 =	simm.s32 $0x1180  }
0x62: {  	[tilespmem:s23], [sflag:$0x1] =	stream.indirect_vreg.gather [hbm4b:s3+s2], $0x80, v18, vm0, $0xb8;
	[tilespmem:$0x10400] =	vst v63  }
0x63: {  	v18 =	vld [tilespmem:$0x20];
	_ =	sdelay $0x4  }
0x64: {  	v19 =	vshll.u32 v18, $0x7  }
0x65: {  	v18 =	vand.u32 $0x7, v18;
	v19 =	vand.u32 $0xFFFFFC00, v19  }
0x66: {  	v18 =	vor.u32 v18, v19  }
0x67: {  	v19 =	vperm.xlane v18, v2;
	_ =	sdelay $0x1  }
0x68: {  	v20 =	vperm.xlane v18, v4;
	v19 =	vadd.s32 v3, v19;
	_ =	sdelay $0x1  }
0x69: {  	v34 =	vperm.xlane v18, v5;
	v20 =	vadd.s32 v3, v20;
	_ =	sdelay $0x1  }
0x6a: {  	s23 =	simm.s32 $0x1200;
	v35 =	vperm.xlane v18, v6;
	v21 =	vadd.s32 v3, v34  }
0x6b: {  	[tilespmem:s23], [sflag:$0x1] =	stream.indirect_vreg.gather [hbm4b:s3+s2], $0x80, v19, vm0, $0xb8;
	[tilespmem:$0x10400] =	vst v63  }
0x6c: {  	v36 =	vperm.xlane v18, v7;
	v19 =	vadd.s32 v3, v35;
	s23 =	simm.s32 $0x1280  }
0x6d: {  	[tilespmem:s23], [sflag:$0x1] =	stream.indirect_vreg.gather [hbm4b:s3+s2], $0x80, v20, vm0, $0xb8;
	[tilespmem:$0x10400] =	vst v63  }
0x6e: {  	v37 =	vperm.xlane v18, v8;
	v20 =	vadd.s32 v3, v36;
	s23 =	simm.s32 $0x1300  }
0x6f: {  	[tilespmem:s23], [sflag:$0x1] =	stream.indirect_vreg.gather [hbm4b:s3+s2], $0x80, v21, vm0, $0xb8;
	[tilespmem:$0x10400] =	vst v63  }
0x70: {  	v39 =	vperm.xlane v18, v9;
	v38 =	vadd.s32 v3, v37;
	s23 =	simm.s32 $0x1380  }
0x71: {  	[tilespmem:s23], [sflag:$0x1] =	stream.indirect_vreg.gather [hbm4b:s3+s2], $0x80, v19, vm0, $0xb8;
	[tilespmem:$0x10400] =	vst v63  }
0x72: {  	v40 =	vperm.xlane v18, v1;
	v19 =	vadd.s32 v3, v39;
	s23 =	simm.s32 $0x1400  }
0x73: {  	[tilespmem:s23], [sflag:$0x1] =	stream.indirect_vreg.gather [hbm4b:s3+s2], $0x80, v20, vm0, $0xb8;
	[tilespmem:$0x10400] =	vst v63  }
0x74: {  	v41 =	vperm.xlane v18, v10;
	v20 =	vadd.s32 v3, v40;
	s23 =	simm.s32 $0x1480  }
0x75: {  	[tilespmem:s23], [sflag:$0x1] =	stream.indirect_vreg.gather [hbm4b:s3+s2], $0x80, v38, vm0, $0xb8;
	[tilespmem:$0x10400] =	vst v63  }
0x76: {  	v43 =	vperm.xlane v18, v11;
	v42 =	vadd.s32 v3, v41;
	s23 =	simm.s32 $0x1500  }
0x77: {  	[tilespmem:s23], [sflag:$0x1] =	stream.indirect_vreg.gather [hbm4b:s3+s2], $0x80, v19, vm0, $0xb8;
	[tilespmem:$0x10400] =	vst v63  }
0x78: {  	v44 =	vperm.xlane v18, v12;
	v19 =	vadd.s32 v3, v43;
	s23 =	simm.s32 $0x1580  }
0x79: {  	[tilespmem:s23], [sflag:$0x1] =	stream.indirect_vreg.gather [hbm4b:s3+s2], $0x80, v20, vm0, $0xb8;
	[tilespmem:$0x10400] =	vst v63  }
0x7a: {  	v45 =	vperm.xlane v18, v13;
	v20 =	vadd.s32 v3, v44;
	s23 =	simm.s32 $0x1600  }
0x7b: {  	[tilespmem:s23], [sflag:$0x1] =	stream.indirect_vreg.gather [hbm4b:s3+s2], $0x80, v42, vm0, $0xb8;
	[tilespmem:$0x10400] =	vst v63  }
0x7c: {  	v47 =	vperm.xlane v18, v14;
	v46 =	vadd.s32 v3, v45;
	s23 =	simm.s32 $0x1680  }
0x7d: {  	[tilespmem:s23], [sflag:$0x1] =	stream.indirect_vreg.gather [hbm4b:s3+s2], $0x80, v19, vm0, $0xb8;
	[tilespmem:$0x10400] =	vst v63  }
0x7e: {  	v48 =	vperm.xlane v18, v15;
	v19 =	vadd.s32 v3, v47;
	s23 =	simm.s32 $0x1700  }
0x7f: {  	[tilespmem:s23], [sflag:$0x1] =	stream.indirect_vreg.gather [hbm4b:s3+s2], $0x80, v20, vm0, $0xb8;
	[tilespmem:$0x10400] =	vst v63  }
0x80: {  	v49 =	vperm.xlane v18, v16;
	v20 =	vadd.s32 v3, v48;
	s23 =	simm.s32 $0x1780  }
0x81: {  	[tilespmem:s23], [sflag:$0x1] =	stream.indirect_vreg.gather [hbm4b:s3+s2], $0x80, v46, vm0, $0xb8;
	[tilespmem:$0x10400] =	vst v63  }
0x82: {  	v18 =	vperm.xlane v18, v17;
	v50 =	vadd.s32 v3, v49;
	s23 =	simm.s32 $0x1800  }
0x83: {  	[tilespmem:s23], [sflag:$0x1] =	stream.indirect_vreg.gather [hbm4b:s3+s2], $0x80, v19, vm0, $0xb8;
	[tilespmem:$0x10400] =	vst v63  }
0x84: {  	v18 =	vadd.s32 v3, v18;
	s23 =	simm.s32 $0x1880  }
0x85: {  	[tilespmem:s23], [sflag:$0x1] =	stream.indirect_vreg.gather [hbm4b:s3+s2], $0x80, v20, vm0, $0xb8;
	[tilespmem:$0x10400] =	vst v63  }
0x86: {  	s23 =	simm.s32 $0x1900  }
0x87: {  	[tilespmem:s23], [sflag:$0x1] =	stream.indirect_vreg.gather [hbm4b:s3+s2], $0x80, v50, vm0, $0xb8;
	[tilespmem:$0x10400] =	vst v63  }
0x88: {  	s23 =	simm.s32 $0x1980  }
0x89: {  	[tilespmem:s23], [sflag:$0x1] =	stream.indirect_vreg.gather [hbm4b:s3+s2], $0x80, v18, vm0, $0xb8;
	[tilespmem:$0x10400] =	vst v63  }
0x8a: {  	v18 =	vld [tilespmem:$0x30];
	_ =	sdelay $0x4  }
0x8b: {  	v19 =	vshll.u32 v18, $0x7  }
0x8c: {  	v18 =	vand.u32 $0x7, v18;
	v19 =	vand.u32 $0xFFFFFC00, v19  }
0x8d: {  	v18 =	vor.u32 v18, v19  }
0x8e: {  	v19 =	vperm.xlane v18, v2;
	_ =	sdelay $0x1  }
0x8f: {  	v20 =	vperm.xlane v18, v4;
	v19 =	vadd.s32 v3, v19;
	_ =	sdelay $0x1  }
0x90: {  	v51 =	vperm.xlane v18, v5;
	v20 =	vadd.s32 v3, v20;
	_ =	sdelay $0x1  }
0x91: {  	s23 =	simm.s32 $0x1A00;
	v52 =	vperm.xlane v18, v6;
	v21 =	vadd.s32 v3, v51  }
0x92: {  	[tilespmem:s23], [sflag:$0x1] =	stream.indirect_vreg.gather [hbm4b:s3+s2], $0x80, v19, vm0, $0xb8;
	[tilespmem:$0x10400] =	vst v63  }
0x93: {  	v53 =	vperm.xlane v18, v7;
	v19 =	vadd.s32 v3, v52;
	s23 =	simm.s32 $0x1A80  }
0x94: {  	[tilespmem:s23], [sflag:$0x1] =	stream.indirect_vreg.gather [hbm4b:s3+s2], $0x80, v20, vm0, $0xb8;
	[tilespmem:$0x10400] =	vst v63  }
0x95: {  	v54 =	vperm.xlane v18, v8;
	v20 =	vadd.s32 v3, v53;
	s23 =	simm.s32 $0x1B00  }
0x96: {  	[tilespmem:s23], [sflag:$0x1] =	stream.indirect_vreg.gather [hbm4b:s3+s2], $0x80, v21, vm0, $0xb8;
	[tilespmem:$0x10400] =	vst v63  }
0x97: {  	v56 =	vperm.xlane v18, v9;
	v55 =	vadd.s32 v3, v54;
	s23 =	simm.s32 $0x1B80  }
0x98: {  	[tilespmem:s23], [sflag:$0x1] =	stream.indirect_vreg.gather [hbm4b:s3+s2], $0x80, v19, vm0, $0xb8;
	[tilespmem:$0x10400] =	vst v63  }
0x99: {  	v57 =	vperm.xlane v18, v1;
	v19 =	vadd.s32 v3, v56;
	s23 =	simm.s32 $0x1C00  }
0x9a: {  	[tilespmem:s23], [sflag:$0x1] =	stream.indirect_vreg.gather [hbm4b:s3+s2], $0x80, v20, vm0, $0xb8;
	[tilespmem:$0x10400] =	vst v63  }
0x9b: {  	v58 =	vperm.xlane v18, v10;
	v20 =	vadd.s32 v3, v57;
	s23 =	simm.s32 $0x1C80  }
0x9c: {  	[tilespmem:s23], [sflag:$0x1] =	stream.indirect_vreg.gather [hbm4b:s3+s2], $0x80, v55, vm0, $0xb8;
	[tilespmem:$0x10400] =	vst v63  }
0x9d: {  	v60 =	vperm.xlane v18, v11;
	v59 =	vadd.s32 v3, v58;
	s23 =	simm.s32 $0x1D00  }
0x9e: {  	[tilespmem:s23], [sflag:$0x1] =	stream.indirect_vreg.gather [hbm4b:s3+s2], $0x80, v19, vm0, $0xb8;
	[tilespmem:$0x10400] =	vst v63  }
0x9f: {  	v61 =	vperm.xlane v18, v12;
	v19 =	vadd.s32 v3, v60;
	s23 =	simm.s32 $0x1D80  }
0xa0: {  	[tilespmem:s23], [sflag:$0x1] =	stream.indirect_vreg.gather [hbm4b:s3+s2], $0x80, v20, vm0, $0xb8;
	[tilespmem:$0x10400] =	vst v63  }
0xa1: {  	v62 =	vperm.xlane v18, v13;
	v20 =	vadd.s32 v3, v61;
	s23 =	simm.s32 $0x1E00  }
0xa2: {  	[tilespmem:s23], [sflag:$0x1] =	stream.indirect_vreg.gather [hbm4b:s3+s2], $0x80, v59, vm0, $0xb8;
	[tilespmem:$0x10400] =	vst v63  }
0xa3: {  	v24 =	vperm.xlane v18, v14;
	v63 =	vadd.s32 v3, v62;
	s23 =	simm.s32 $0x1E80  }
0xa4: {  	[tilespmem:s23], [sflag:$0x1] =	stream.indirect_vreg.gather [hbm4b:s3+s2], $0x80, v19, vm0, $0xb8;
	[tilespmem:$0x10400] =	vst v63  }
0xa5: {  	v25 =	vperm.xlane v18, v15;
	v19 =	vadd.s32 v3, v24;
	s23 =	simm.s32 $0x1F00  }
0xa6: {  	[tilespmem:s23], [sflag:$0x1] =	stream.indirect_vreg.gather [hbm4b:s3+s2], $0x80, v20, vm0, $0xb8;
	[tilespmem:$0x10400] =	vst v63  }
0xa7: {  	v26 =	vperm.xlane v18, v16;
	v20 =	vadd.s32 v3, v25;
	s23 =	simm.s32 $0x1F80  }
0xa8: {  	[tilespmem:s23], [sflag:$0x1] =	stream.indirect_vreg.gather [hbm4b:s3+s2], $0x80, v63, vm0, $0xb8;
	[tilespmem:$0x10400] =	vst v63  }
0xa9: {  	v18 =	vperm.xlane v18, v17;
	v27 =	vadd.s32 v3, v26;
	s23 =	simm.s32 $0x2000  }
0xaa: {  	[tilespmem:s23], [sflag:$0x1] =	stream.indirect_vreg.gather [hbm4b:s3+s2], $0x80, v19, vm0, $0xb8;
	[tilespmem:$0x10400] =	vst v63  }
0xab: {  	v18 =	vadd.s32 v3, v18;
	s23 =	simm.s32 $0x2080  }
0xac: {  	[tilespmem:s23], [sflag:$0x1] =	stream.indirect_vreg.gather [hbm4b:s3+s2], $0x80, v20, vm0, $0xb8;
	[tilespmem:$0x10400] =	vst v63  }
0xad: {  	s23 =	simm.s32 $0x2100  }
0xae: {  	[tilespmem:s23], [sflag:$0x1] =	stream.indirect_vreg.gather [hbm4b:s3+s2], $0x80, v27, vm0, $0xb8;
	[tilespmem:$0x10400] =	vst v63  }
0xaf: {  	s23 =	simm.s32 $0x2180  }
0xb0: {  	[tilespmem:s23], [sflag:$0x1] =	stream.indirect_vreg.gather [hbm4b:s3+s2], $0x80, v18, vm0, $0xb8;
	[tilespmem:$0x10400] =	vst v63  }
0xb1: {  	v18 =	vld [tilespmem:$0x40];
	_ =	sdelay $0x4  }
0xb2: {  	v19 =	vshll.u32 v18, $0x7  }
0xb3: {  	v18 =	vand.u32 $0x7, v18;
	v19 =	vand.u32 $0xFFFFFC00, v19  }
0xb4: {  	v18 =	vor.u32 v18, v19  }
0xb5: {  	v19 =	vperm.xlane v18, v2;
	_ =	sdelay $0x1  }
0xb6: {  	v20 =	vperm.xlane v18, v4;
	v19 =	vadd.s32 v3, v19;
	_ =	sdelay $0x1  }
0xb7: {  	v28 =	vperm.xlane v18, v5;
	v20 =	vadd.s32 v3, v20;
	_ =	sdelay $0x1  }
0xb8: {  	s23 =	simm.s32 $0x2200;
	v29 =	vperm.xlane v18, v6;
	v21 =	vadd.s32 v3, v28  }
0xb9: {  	[tilespmem:s23], [sflag:$0x1] =	stream.indirect_vreg.gather [hbm4b:s3+s2], $0x80, v19, vm0, $0xb8;
	[tilespmem:$0x10400] =	vst v63  }
0xba: {  	v30 =	vperm.xlane v18, v7;
	v19 =	vadd.s32 v3, v29;
	s23 =	simm.s32 $0x2280  }
0xbb: {  	[tilespmem:s23], [sflag:$0x1] =	stream.indirect_vreg.gather [hbm4b:s3+s2], $0x80, v20, vm0, $0xb8;
	[tilespmem:$0x10400] =	vst v63  }
0xbc: {  	v31 =	vperm.xlane v18, v8;
	v20 =	vadd.s32 v3, v30;
	s23 =	simm.s32 $0x2300  }
0xbd: {  	[tilespmem:s23], [sflag:$0x1] =	stream.indirect_vreg.gather [hbm4b:s3+s2], $0x80, v21, vm0, $0xb8;
	[tilespmem:$0x10400] =	vst v63  }
0xbe: {  	v33 =	vperm.xlane v18, v9;
	v32 =	vadd.s32 v3, v31;
	s23 =	simm.s32 $0x2380  }
0xbf: {  	[tilespmem:s23], [sflag:$0x1] =	stream.indirect_vreg.gather [hbm4b:s3+s2], $0x80, v19, vm0, $0xb8;
	[tilespmem:$0x10400] =	vst v63  }
0xc0: {  	v34 =	vperm.xlane v18, v1;
	v19 =	vadd.s32 v3, v33;
	s23 =	simm.s32 $0x2400  }
0xc1: {  	[tilespmem:s23], [sflag:$0x1] =	stream.indirect_vreg.gather [hbm4b:s3+s2], $0x80, v20, vm0, $0xb8;
	[tilespmem:$0x10400] =	vst v63  }
0xc2: {  	v35 =	vperm.xlane v18, v10;
	v20 =	vadd.s32 v3, v34;
	s23 =	simm.s32 $0x2480  }
0xc3: {  	[tilespmem:s23], [sflag:$0x1] =	stream.indirect_vreg.gather [hbm4b:s3+s2], $0x80, v32, vm0, $0xb8;
	[tilespmem:$0x10400] =	vst v63  }
0xc4: {  	v37 =	vperm.xlane v18, v11;
	v36 =	vadd.s32 v3, v35;
	s23 =	simm.s32 $0x2500  }
0xc5: {  	[tilespmem:s23], [sflag:$0x1] =	stream.indirect_vreg.gather [hbm4b:s3+s2], $0x80, v19, vm0, $0xb8;
	[tilespmem:$0x10400] =	vst v63  }
0xc6: {  	v38 =	vperm.xlane v18, v12;
	v19 =	vadd.s32 v3, v37;
	s23 =	simm.s32 $0x2580  }
0xc7: {  	[tilespmem:s23], [sflag:$0x1] =	stream.indirect_vreg.gather [hbm4b:s3+s2], $0x80, v20, vm0, $0xb8;
	[tilespmem:$0x10400] =	vst v63  }
0xc8: {  	v39 =	vperm.xlane v18, v13;
	v20 =	vadd.s32 v3, v38;
	s23 =	simm.s32 $0x2600  }
0xc9: {  	[tilespmem:s23], [sflag:$0x1] =	stream.indirect_vreg.gather [hbm4b:s3+s2], $0x80, v36, vm0, $0xb8;
	[tilespmem:$0x10400] =	vst v63  }
0xca: {  	v41 =	vperm.xlane v18, v14;
	v40 =	vadd.s32 v3, v39;
	s23 =	simm.s32 $0x2680  }
0xcb: {  	[tilespmem:s23], [sflag:$0x1] =	stream.indirect_vreg.gather [hbm4b:s3+s2], $0x80, v19, vm0, $0xb8;
	[tilespmem:$0x10400] =	vst v63  }
0xcc: {  	v42 =	vperm.xlane v18, v15;
	v19 =	vadd.s32 v3, v41;
	s23 =	simm.s32 $0x2700  }
0xcd: {  	[tilespmem:s23], [sflag:$0x1] =	stream.indirect_vreg.gather [hbm4b:s3+s2], $0x80, v20, vm0, $0xb8;
	[tilespmem:$0x10400] =	vst v63  }
0xce: {  	v43 =	vperm.xlane v18, v16;
	v20 =	vadd.s32 v3, v42;
	s23 =	simm.s32 $0x2780  }
0xcf: {  	[tilespmem:s23], [sflag:$0x1] =	stream.indirect_vreg.gather [hbm4b:s3+s2], $0x80, v40, vm0, $0xb8;
	[tilespmem:$0x10400] =	vst v63  }
0xd0: {  	v18 =	vperm.xlane v18, v17;
	v44 =	vadd.s32 v3, v43;
	s23 =	simm.s32 $0x2800  }
0xd1: {  	[tilespmem:s23], [sflag:$0x1] =	stream.indirect_vreg.gather [hbm4b:s3+s2], $0x80, v19, vm0, $0xb8;
	[tilespmem:$0x10400] =	vst v63  }
0xd2: {  	v18 =	vadd.s32 v3, v18;
	s23 =	simm.s32 $0x2880  }
0xd3: {  	[tilespmem:s23], [sflag:$0x1] =	stream.indirect_vreg.gather [hbm4b:s3+s2], $0x80, v20, vm0, $0xb8;
	[tilespmem:$0x10400] =	vst v63  }
0xd4: {  	s23 =	simm.s32 $0x2900  }
0xd5: {  	[tilespmem:s23], [sflag:$0x1] =	stream.indirect_vreg.gather [hbm4b:s3+s2], $0x80, v44, vm0, $0xb8;
	[tilespmem:$0x10400] =	vst v63  }
0xd6: {  	s23 =	simm.s32 $0x2980  }
0xd7: {  	[tilespmem:s23], [sflag:$0x1] =	stream.indirect_vreg.gather [hbm4b:s3+s2], $0x80, v18, vm0, $0xb8;
	[tilespmem:$0x10400] =	vst v63  }
0xd8: {  	v18 =	vld [tilespmem:$0x50];
	_ =	sdelay $0x4  }
0xd9: {  	v19 =	vshll.u32 v18, $0x7  }
0xda: {  	v18 =	vand.u32 $0x7, v18;
	v19 =	vand.u32 $0xFFFFFC00, v19  }
0xdb: {  	v18 =	vor.u32 v18, v19  }
0xdc: {  	v19 =	vperm.xlane v18, v2;
	_ =	sdelay $0x1  }
0xdd: {  	v20 =	vperm.xlane v18, v4;
	v19 =	vadd.s32 v3, v19;
	_ =	sdelay $0x1  }
0xde: {  	v45 =	vperm.xlane v18, v5;
	v20 =	vadd.s32 v3, v20;
	_ =	sdelay $0x1  }
0xdf: {  	s23 =	simm.s32 $0x2A00;
	v46 =	vperm.xlane v18, v6;
	v21 =	vadd.s32 v3, v45  }
0xe0: {  	[tilespmem:s23], [sflag:$0x1] =	stream.indirect_vreg.gather [hbm4b:s3+s2], $0x80, v19, vm0, $0xb8;
	[tilespmem:$0x10400] =	vst v63  }
0xe1: {  	v47 =	vperm.xlane v18, v7;
	v19 =	vadd.s32 v3, v46;
	s23 =	simm.s32 $0x2A80  }
0xe2: {  	[tilespmem:s23], [sflag:$0x1] =	stream.indirect_vreg.gather [hbm4b:s3+s2], $0x80, v20, vm0, $0xb8;
	[tilespmem:$0x10400] =	vst v63  }
0xe3: {  	v48 =	vperm.xlane v18, v8;
	v20 =	vadd.s32 v3, v47;
	s23 =	simm.s32 $0x2B00  }
0xe4: {  	[tilespmem:s23], [sflag:$0x1] =	stream.indirect_vreg.gather [hbm4b:s3+s2], $0x80, v21, vm0, $0xb8;
	[tilespmem:$0x10400] =	vst v63  }
0xe5: {  	v50 =	vperm.xlane v18, v9;
	v49 =	vadd.s32 v3, v48;
	s23 =	simm.s32 $0x2B80  }
0xe6: {  	[tilespmem:s23], [sflag:$0x1] =	stream.indirect_vreg.gather [hbm4b:s3+s2], $0x80, v19, vm0, $0xb8;
	[tilespmem:$0x10400] =	vst v63  }
0xe7: {  	v51 =	vperm.xlane v18, v1;
	v19 =	vadd.s32 v3, v50;
	s23 =	simm.s32 $0x2C00  }
0xe8: {  	[tilespmem:s23], [sflag:$0x1] =	stream.indirect_vreg.gather [hbm4b:s3+s2], $0x80, v20, vm0, $0xb8;
	[tilespmem:$0x10400] =	vst v63  }
0xe9: {  	v52 =	vperm.xlane v18, v10;
	v20 =	vadd.s32 v3, v51;
	s23 =	simm.s32 $0x2C80  }
0xea: {  	[tilespmem:s23], [sflag:$0x1] =	stream.indirect_vreg.gather [hbm4b:s3+s2], $0x80, v49, vm0, $0xb8;
	[tilespmem:$0x10400] =	vst v63  }
0xeb: {  	v54 =	vperm.xlane v18, v11;
	v53 =	vadd.s32 v3, v52;
	s23 =	simm.s32 $0x2D00  }
0xec: {  	[tilespmem:s23], [sflag:$0x1] =	stream.indirect_vreg.gather [hbm4b:s3+s2], $0x80, v19, vm0, $0xb8;
	[tilespmem:$0x10400] =	vst v63  }
0xed: {  	v55 =	vperm.xlane v18, v12;
	v19 =	vadd.s32 v3, v54;
	s23 =	simm.s32 $0x2D80  }
0xee: {  	[tilespmem:s23], [sflag:$0x1] =	stream.indirect_vreg.gather [hbm4b:s3+s2], $0x80, v20, vm0, $0xb8;
	[tilespmem:$0x10400] =	vst v63  }
0xef: {  	v56 =	vperm.xlane v18, v13;
	v20 =	vadd.s32 v3, v55;
	s23 =	simm.s32 $0x2E00  }
0xf0: {  	[tilespmem:s23], [sflag:$0x1] =	stream.indirect_vreg.gather [hbm4b:s3+s2], $0x80, v53, vm0, $0xb8;
	[tilespmem:$0x10400] =	vst v63  }
0xf1: {  	v58 =	vperm.xlane v18, v14;
	v57 =	vadd.s32 v3, v56;
	s23 =	simm.s32 $0x2E80  }
0xf2: {  	[tilespmem:s23], [sflag:$0x1] =	stream.indirect_vreg.gather [hbm4b:s3+s2], $0x80, v19, vm0, $0xb8;
	[tilespmem:$0x10400] =	vst v63  }
0xf3: {  	v59 =	vperm.xlane v18, v15;
	v19 =	vadd.s32 v3, v58;
	s23 =	simm.s32 $0x2F00  }
0xf4: {  	[tilespmem:s23], [sflag:$0x1] =	stream.indirect_vreg.gather [hbm4b:s3+s2], $0x80, v20, vm0, $0xb8;
	[tilespmem:$0x10400] =	vst v63  }
0xf5: {  	v60 =	vperm.xlane v18, v16;
	v20 =	vadd.s32 v3, v59;
	s23 =	simm.s32 $0x2F80  }
0xf6: {  	[tilespmem:s23], [sflag:$0x1] =	stream.indirect_vreg.gather [hbm4b:s3+s2], $0x80, v57, vm0, $0xb8;
	[tilespmem:$0x10400] =	vst v63  }
0xf7: {  	v18 =	vperm.xlane v18, v17;
	v61 =	vadd.s32 v3, v60;
	s23 =	simm.s32 $0x3000  }
0xf8: {  	[tilespmem:s23], [sflag:$0x1] =	stream.indirect_vreg.gather [hbm4b:s3+s2], $0x80, v19, vm0, $0xb8;
	[tilespmem:$0x10400] =	vst v63  }
0xf9: {  	v18 =	vadd.s32 v3, v18;
	s23 =	simm.s32 $0x3080  }
0xfa: {  	[tilespmem:s23], [sflag:$0x1] =	stream.indirect_vreg.gather [hbm4b:s3+s2], $0x80, v20, vm0, $0xb8;
	[tilespmem:$0x10400] =	vst v63  }
0xfb: {  	s23 =	simm.s32 $0x3100  }
0xfc: {  	[tilespmem:s23], [sflag:$0x1] =	stream.indirect_vreg.gather [hbm4b:s3+s2], $0x80, v61, vm0, $0xb8;
	[tilespmem:$0x10400] =	vst v63  }
0xfd: {  	s23 =	simm.s32 $0x3180  }
0xfe: {  	[tilespmem:s23], [sflag:$0x1] =	stream.indirect_vreg.gather [hbm4b:s3+s2], $0x80, v18, vm0, $0xb8;
	[tilespmem:$0x10400] =	vst v63  }
0xff: {  	v18 =	vld [tilespmem:$0x60];
	_ =	sdelay $0x4  }
0x100: {  	v19 =	vshll.u32 v18, $0x7  }
0x101: {  	v18 =	vand.u32 $0x7, v18;
	v19 =	vand.u32 $0xFFFFFC00, v19  }
0x102: {  	v18 =	vor.u32 v18, v19  }
0x103: {  	v19 =	vperm.xlane v18, v2;
	_ =	sdelay $0x1  }
0x104: {  	v20 =	vperm.xlane v18, v4;
	v19 =	vadd.s32 v3, v19;
	_ =	sdelay $0x1  }
0x105: {  	v62 =	vperm.xlane v18, v5;
	v20 =	vadd.s32 v3, v20;
	_ =	sdelay $0x1  }
0x106: {  	s23 =	simm.s32 $0x3200;
	v63 =	vperm.xlane v18, v6;
	v21 =	vadd.s32 v3, v62  }
0x107: {  	[tilespmem:s23], [sflag:$0x1] =	stream.indirect_vreg.gather [hbm4b:s3+s2], $0x80, v19, vm0, $0xb8;
	[tilespmem:$0x10400] =	vst v63  }
0x108: {  	v24 =	vperm.xlane v18, v7;
	v19 =	vadd.s32 v3, v63;
	s23 =	simm.s32 $0x3280  }
0x109: {  	[tilespmem:s23], [sflag:$0x1] =	stream.indirect_vreg.gather [hbm4b:s3+s2], $0x80, v20, vm0, $0xb8;
	[tilespmem:$0x10400] =	vst v63  }
0x10a: {  	v25 =	vperm.xlane v18, v8;
	v20 =	vadd.s32 v3, v24;
	s23 =	simm.s32 $0x3300  }
0x10b: {  	[tilespmem:s23], [sflag:$0x1] =	stream.indirect_vreg.gather [hbm4b:s3+s2], $0x80, v21, vm0, $0xb8;
	[tilespmem:$0x10400] =	vst v63  }
0x10c: {  	v27 =	vperm.xlane v18, v9;
	v26 =	vadd.s32 v3, v25;
	s23 =	simm.s32 $0x3380  }
0x10d: {  	[tilespmem:s23], [sflag:$0x1] =	stream.indirect_vreg.gather [hbm4b:s3+s2], $0x80, v19, vm0, $0xb8;
	[tilespmem:$0x10400] =	vst v63  }
0x10e: {  	v28 =	vperm.xlane v18, v1;
	v19 =	vadd.s32 v3, v27;
	s23 =	simm.s32 $0x3400  }
0x10f: {  	[tilespmem:s23], [sflag:$0x1] =	stream.indirect_vreg.gather [hbm4b:s3+s2], $0x80, v20, vm0, $0xb8;
	[tilespmem:$0x10400] =	vst v63  }
0x110: {  	v29 =	vperm.xlane v18, v10;
	v20 =	vadd.s32 v3, v28;
	s23 =	simm.s32 $0x3480  }
0x111: {  	[tilespmem:s23], [sflag:$0x1] =	stream.indirect_vreg.gather [hbm4b:s3+s2], $0x80, v26, vm0, $0xb8;
	[tilespmem:$0x10400] =	vst v63  }
0x112: {  	v31 =	vperm.xlane v18, v11;
	v30 =	vadd.s32 v3, v29;
	s23 =	simm.s32 $0x3500  }
0x113: {  	[tilespmem:s23], [sflag:$0x1] =	stream.indirect_vreg.gather [hbm4b:s3+s2], $0x80, v19, vm0, $0xb8;
	[tilespmem:$0x10400] =	vst v63  }
0x114: {  	v32 =	vperm.xlane v18, v12;
	v19 =	vadd.s32 v3, v31;
	s23 =	simm.s32 $0x3580  }
0x115: {  	[tilespmem:s23], [sflag:$0x1] =	stream.indirect_vreg.gather [hbm4b:s3+s2], $0x80, v20, vm0, $0xb8;
	[tilespmem:$0x10400] =	vst v63  }
0x116: {  	v33 =	vperm.xlane v18, v13;
	v20 =	vadd.s32 v3, v32;
	s23 =	simm.s32 $0x3600  }
0x117: {  	[tilespmem:s23], [sflag:$0x1] =	stream.indirect_vreg.gather [hbm4b:s3+s2], $0x80, v30, vm0, $0xb8;
	[tilespmem:$0x10400] =	vst v63  }
0x118: {  	v35 =	vperm.xlane v18, v14;
	v34 =	vadd.s32 v3, v33;
	s23 =	simm.s32 $0x3680  }
0x119: {  	[tilespmem:s23], [sflag:$0x1] =	stream.indirect_vreg.gather [hbm4b:s3+s2], $0x80, v19, vm0, $0xb8;
	[tilespmem:$0x10400] =	vst v63  }
0x11a: {  	v36 =	vperm.xlane v18, v15;
	v19 =	vadd.s32 v3, v35;
	s23 =	simm.s32 $0x3700  }
0x11b: {  	[tilespmem:s23], [sflag:$0x1] =	stream.indirect_vreg.gather [hbm4b:s3+s2], $0x80, v20, vm0, $0xb8;
	[tilespmem:$0x10400] =	vst v63  }
0x11c: {  	v37 =	vperm.xlane v18, v16;
	v20 =	vadd.s32 v3, v36;
	s23 =	simm.s32 $0x3780  }
0x11d: {  	[tilespmem:s23], [sflag:$0x1] =	stream.indirect_vreg.gather [hbm4b:s3+s2], $0x80, v34, vm0, $0xb8;
	[tilespmem:$0x10400] =	vst v63  }
0x11e: {  	v18 =	vperm.xlane v18, v17;
	v38 =	vadd.s32 v3, v37;
	s23 =	simm.s32 $0x3800  }
0x11f: {  	[tilespmem:s23], [sflag:$0x1] =	stream.indirect_vreg.gather [hbm4b:s3+s2], $0x80, v19, vm0, $0xb8;
	[tilespmem:$0x10400] =	vst v63  }
0x120: {  	v18 =	vadd.s32 v3, v18;
	s23 =	simm.s32 $0x3880  }
0x121: {  	[tilespmem:s23], [sflag:$0x1] =	stream.indirect_vreg.gather [hbm4b:s3+s2], $0x80, v20, vm0, $0xb8;
	[tilespmem:$0x10400] =	vst v63  }
0x122: {  	s23 =	simm.s32 $0x3900  }
0x123: {  	[tilespmem:s23], [sflag:$0x1] =	stream.indirect_vreg.gather [hbm4b:s3+s2], $0x80, v38, vm0, $0xb8;
	[tilespmem:$0x10400] =	vst v63  }
0x124: {  	s23 =	simm.s32 $0x3980  }
0x125: {  	[tilespmem:s23], [sflag:$0x1] =	stream.indirect_vreg.gather [hbm4b:s3+s2], $0x80, v18, vm0, $0xb8;
	[tilespmem:$0x10400] =	vst v63  }
0x126: {  	v18 =	vld [tilespmem:$0x70];
	_ =	sdelay $0x4  }
0x127: {  	v19 =	vshll.u32 v18, $0x7  }
0x128: {  	v18 =	vand.u32 $0x7, v18;
	v19 =	vand.u32 $0xFFFFFC00, v19  }
0x129: {  	v18 =	vor.u32 v18, v19  }
0x12a: {  	v19 =	vperm.xlane v18, v2;
	_ =	sdelay $0x1  }
0x12b: {  	v20 =	vperm.xlane v18, v4;
	v19 =	vadd.s32 v3, v19;
	_ =	sdelay $0x1  }
0x12c: {  	v39 =	vperm.xlane v18, v5;
	v20 =	vadd.s32 v3, v20;
	_ =	sdelay $0x1  }
0x12d: {  	s23 =	simm.s32 $0x3A00;
	v40 =	vperm.xlane v18, v6;
	v21 =	vadd.s32 v3, v39  }
0x12e: {  	[tilespmem:s23], [sflag:$0x1] =	stream.indirect_vreg.gather [hbm4b:s3+s2], $0x80, v19, vm0, $0xb8;
	[tilespmem:$0x10400] =	vst v63  }
0x12f: {  	v41 =	vperm.xlane v18, v7;
	v19 =	vadd.s32 v3, v40;
	s23 =	simm.s32 $0x3A80  }
0x130: {  	[tilespmem:s23], [sflag:$0x1] =	stream.indirect_vreg.gather [hbm4b:s3+s2], $0x80, v20, vm0, $0xb8;
	[tilespmem:$0x10400] =	vst v63  }
0x131: {  	v42 =	vperm.xlane v18, v8;
	v20 =	vadd.s32 v3, v41;
	s23 =	simm.s32 $0x3B00  }
0x132: {  	[tilespmem:s23], [sflag:$0x1] =	stream.indirect_vreg.gather [hbm4b:s3+s2], $0x80, v21, vm0, $0xb8;
	[tilespmem:$0x10400] =	vst v63  }
0x133: {  	v44 =	vperm.xlane v18, v9;
	v43 =	vadd.s32 v3, v42;
	s23 =	simm.s32 $0x3B80  }
0x134: {  	[tilespmem:s23], [sflag:$0x1] =	stream.indirect_vreg.gather [hbm4b:s3+s2], $0x80, v19, vm0, $0xb8;
	[tilespmem:$0x10400] =	vst v63  }
0x135: {  	v45 =	vperm.xlane v18, v1;
	v19 =	vadd.s32 v3, v44;
	s23 =	simm.s32 $0x3C00  }
0x136: {  	[tilespmem:s23], [sflag:$0x1] =	stream.indirect_vreg.gather [hbm4b:s3+s2], $0x80, v20, vm0, $0xb8;
	[tilespmem:$0x10400] =	vst v63  }
0x137: {  	v46 =	vperm.xlane v18, v10;
	v20 =	vadd.s32 v3, v45;
	s23 =	simm.s32 $0x3C80  }
0x138: {  	[tilespmem:s23], [sflag:$0x1] =	stream.indirect_vreg.gather [hbm4b:s3+s2], $0x80, v43, vm0, $0xb8;
	[tilespmem:$0x10400] =	vst v63  }
0x139: {  	v48 =	vperm.xlane v18, v11;
	v47 =	vadd.s32 v3, v46;
	s23 =	simm.s32 $0x3D00  }
0x13a: {  	[tilespmem:s23], [sflag:$0x1] =	stream.indirect_vreg.gather [hbm4b:s3+s2], $0x80, v19, vm0, $0xb8;
	[tilespmem:$0x10400] =	vst v63  }
0x13b: {  	v49 =	vperm.xlane v18, v12;
	v19 =	vadd.s32 v3, v48;
	s23 =	simm.s32 $0x3D80  }
0x13c: {  	[tilespmem:s23], [sflag:$0x1] =	stream.indirect_vreg.gather [hbm4b:s3+s2], $0x80, v20, vm0, $0xb8;
	[tilespmem:$0x10400] =	vst v63  }
0x13d: {  	v50 =	vperm.xlane v18, v13;
	v20 =	vadd.s32 v3, v49;
	s23 =	simm.s32 $0x3E00  }
0x13e: {  	[tilespmem:s23], [sflag:$0x1] =	stream.indirect_vreg.gather [hbm4b:s3+s2], $0x80, v47, vm0, $0xb8;
	[tilespmem:$0x10400] =	vst v63  }
0x13f: {  	v52 =	vperm.xlane v18, v14;
	v51 =	vadd.s32 v3, v50;
	s23 =	simm.s32 $0x3E80  }
0x140: {  	[tilespmem:s23], [sflag:$0x1] =	stream.indirect_vreg.gather [hbm4b:s3+s2], $0x80, v19, vm0, $0xb8;
	[tilespmem:$0x10400] =	vst v63  }
0x141: {  	v53 =	vperm.xlane v18, v15;
	v19 =	vadd.s32 v3, v52;
	s23 =	simm.s32 $0x3F00  }
0x142: {  	[tilespmem:s23], [sflag:$0x1] =	stream.indirect_vreg.gather [hbm4b:s3+s2], $0x80, v20, vm0, $0xb8;
	[tilespmem:$0x10400] =	vst v63  }
0x143: {  	v54 =	vperm.xlane v18, v16;
	v20 =	vadd.s32 v3, v53;
	s23 =	simm.s32 $0x3F80  }
0x144: {  	[tilespmem:s23], [sflag:$0x1] =	stream.indirect_vreg.gather [hbm4b:s3+s2], $0x80, v51, vm0, $0xb8;
	[tilespmem:$0x10400] =	vst v63  }
0x145: {  	v18 =	vperm.xlane v18, v17;
	v55 =	vadd.s32 v3, v54;
	s23 =	simm.s32 $0x4000  }
0x146: {  	[tilespmem:s23], [sflag:$0x1] =	stream.indirect_vreg.gather [hbm4b:s3+s2], $0x80, v19, vm0, $0xb8;
	[tilespmem:$0x10400] =	vst v63  }
0x147: {  	v18 =	vadd.s32 v3, v18;
	s23 =	simm.s32 $0x4080  }
0x148: {  	[tilespmem:s23], [sflag:$0x1] =	stream.indirect_vreg.gather [hbm4b:s3+s2], $0x80, v20, vm0, $0xb8;
	[tilespmem:$0x10400] =	vst v63  }
0x149: {  	s23 =	simm.s32 $0x4100  }
0x14a: {  	[tilespmem:s23], [sflag:$0x1] =	stream.indirect_vreg.gather [hbm4b:s3+s2], $0x80, v55, vm0, $0xb8;
	[tilespmem:$0x10400] =	vst v63  }
0x14b: {  	s23 =	simm.s32 $0x4180  }
0x14c: {  	[tilespmem:s23], [sflag:$0x1] =	stream.indirect_vreg.gather [hbm4b:s3+s2], $0x80, v18, vm0, $0xb8;
	[tilespmem:$0x10400] =	vst v63  }
0x14d: {  	v18 =	vld [tilespmem:$0x80];
	_ =	sdelay $0x4  }
0x14e: {  	v19 =	vshll.u32 v18, $0x7  }
0x14f: {  	v18 =	vand.u32 $0x7, v18;
	v19 =	vand.u32 $0xFFFFFC00, v19  }
0x150: {  	v18 =	vor.u32 v18, v19  }
0x151: {  	v19 =	vperm.xlane v18, v2;
	_ =	sdelay $0x1  }
0x152: {  	v20 =	vperm.xlane v18, v4;
	v19 =	vadd.s32 v3, v19;
	_ =	sdelay $0x1  }
0x153: {  	v56 =	vperm.xlane v18, v5;
	v20 =	vadd.s32 v3, v20;
	_ =	sdelay $0x1  }
0x154: {  	s23 =	simm.s32 $0x4200;
	v57 =	vperm.xlane v18, v6;
	v21 =	vadd.s32 v3, v56  }
0x155: {  	[tilespmem:s23], [sflag:$0x1] =	stream.indirect_vreg.gather [hbm4b:s5+s2], $0x80, v19, vm0, $0xb8;
	[tilespmem:$0x10400] =	vst v63  }
0x156: {  	v58 =	vperm.xlane v18, v7;
	v19 =	vadd.s32 v3, v57;
	s23 =	simm.s32 $0x4280  }
0x157: {  	[tilespmem:s23], [sflag:$0x1] =	stream.indirect_vreg.gather [hbm4b:s5+s2], $0x80, v20, vm0, $0xb8;
	[tilespmem:$0x10400] =	vst v63  }
0x158: {  	v59 =	vperm.xlane v18, v8;
	v20 =	vadd.s32 v3, v58;
	s23 =	simm.s32 $0x4300  }
0x159: {  	[tilespmem:s23], [sflag:$0x1] =	stream.indirect_vreg.gather [hbm4b:s5+s2], $0x80, v21, vm0, $0xb8;
	[tilespmem:$0x10400] =	vst v63  }
0x15a: {  	v61 =	vperm.xlane v18, v9;
	v60 =	vadd.s32 v3, v59;
	s23 =	simm.s32 $0x4380  }
0x15b: {  	[tilespmem:s23], [sflag:$0x1] =	stream.indirect_vreg.gather [hbm4b:s5+s2], $0x80, v19, vm0, $0xb8;
	[tilespmem:$0x10400] =	vst v63  }
0x15c: {  	v62 =	vperm.xlane v18, v1;
	v19 =	vadd.s32 v3, v61;
	s23 =	simm.s32 $0x4400  }
0x15d: {  	[tilespmem:s23], [sflag:$0x1] =	stream.indirect_vreg.gather [hbm4b:s5+s2], $0x80, v20, vm0, $0xb8;
	[tilespmem:$0x10400] =	vst v63  }
0x15e: {  	v63 =	vperm.xlane v18, v10;
	v20 =	vadd.s32 v3, v62;
	s23 =	simm.s32 $0x4480  }
0x15f: {  	[tilespmem:s23], [sflag:$0x1] =	stream.indirect_vreg.gather [hbm4b:s5+s2], $0x80, v60, vm0, $0xb8;
	[tilespmem:$0x10400] =	vst v63  }
0x160: {  	v25 =	vperm.xlane v18, v11;
	v24 =	vadd.s32 v3, v63;
	s23 =	simm.s32 $0x4500  }
0x161: {  	[tilespmem:s23], [sflag:$0x1] =	stream.indirect_vreg.gather [hbm4b:s5+s2], $0x80, v19, vm0, $0xb8;
	[tilespmem:$0x10400] =	vst v63  }
0x162: {  	v26 =	vperm.xlane v18, v12;
	v19 =	vadd.s32 v3, v25;
	s23 =	simm.s32 $0x4580  }
0x163: {  	[tilespmem:s23], [sflag:$0x1] =	stream.indirect_vreg.gather [hbm4b:s5+s2], $0x80, v20, vm0, $0xb8;
	[tilespmem:$0x10400] =	vst v63  }
0x164: {  	v27 =	vperm.xlane v18, v13;
	v20 =	vadd.s32 v3, v26;
	s23 =	simm.s32 $0x4600  }
0x165: {  	[tilespmem:s23], [sflag:$0x1] =	stream.indirect_vreg.gather [hbm4b:s5+s2], $0x80, v24, vm0, $0xb8;
	[tilespmem:$0x10400] =	vst v63  }
0x166: {  	v29 =	vperm.xlane v18, v14;
	v28 =	vadd.s32 v3, v27;
	s23 =	simm.s32 $0x4680  }
0x167: {  	[tilespmem:s23], [sflag:$0x1] =	stream.indirect_vreg.gather [hbm4b:s5+s2], $0x80, v19, vm0, $0xb8;
	[tilespmem:$0x10400] =	vst v63  }
0x168: {  	v30 =	vperm.xlane v18, v15;
	v19 =	vadd.s32 v3, v29;
	s23 =	simm.s32 $0x4700  }
0x169: {  	[tilespmem:s23], [sflag:$0x1] =	stream.indirect_vreg.gather [hbm4b:s5+s2], $0x80, v20, vm0, $0xb8;
	[tilespmem:$0x10400] =	vst v63  }
0x16a: {  	v31 =	vperm.xlane v18, v16;
	v20 =	vadd.s32 v3, v30;
	s23 =	simm.s32 $0x4780  }
0x16b: {  	[tilespmem:s23], [sflag:$0x1] =	stream.indirect_vreg.gather [hbm4b:s5+s2], $0x80, v28, vm0, $0xb8;
	[tilespmem:$0x10400] =	vst v63  }
0x16c: {  	v18 =	vperm.xlane v18, v17;
	v32 =	vadd.s32 v3, v31;
	s23 =	simm.s32 $0x4800  }
0x16d: {  	[tilespmem:s23], [sflag:$0x1] =	stream.indirect_vreg.gather [hbm4b:s5+s2], $0x80, v19, vm0, $0xb8;
	[tilespmem:$0x10400] =	vst v63  }
0x16e: {  	v18 =	vadd.s32 v3, v18;
	s23 =	simm.s32 $0x4880  }
0x16f: {  	[tilespmem:s23], [sflag:$0x1] =	stream.indirect_vreg.gather [hbm4b:s5+s2], $0x80, v20, vm0, $0xb8;
	[tilespmem:$0x10400] =	vst v63  }
0x170: {  	s23 =	simm.s32 $0x4900  }
0x171: {  	[tilespmem:s23], [sflag:$0x1] =	stream.indirect_vreg.gather [hbm4b:s5+s2], $0x80, v32, vm0, $0xb8;
	[tilespmem:$0x10400] =	vst v63  }
0x172: {  	s23 =	simm.s32 $0x4980  }
0x173: {  	[tilespmem:s23], [sflag:$0x1] =	stream.indirect_vreg.gather [hbm4b:s5+s2], $0x80, v18, vm0, $0xb8;
	[tilespmem:$0x10400] =	vst v63  }
0x174: {  	v18 =	vld [tilespmem:$0x90];
	_ =	sdelay $0x4  }
0x175: {  	v19 =	vshll.u32 v18, $0x7  }
0x176: {  	v18 =	vand.u32 $0x7, v18;
	v19 =	vand.u32 $0xFFFFFC00, v19  }
0x177: {  	v18 =	vor.u32 v18, v19  }
0x178: {  	v19 =	vperm.xlane v18, v2;
	_ =	sdelay $0x1  }
0x179: {  	v20 =	vperm.xlane v18, v4;
	v19 =	vadd.s32 v3, v19;
	_ =	sdelay $0x1  }
0x17a: {  	v33 =	vperm.xlane v18, v5;
	v20 =	vadd.s32 v3, v20;
	_ =	sdelay $0x1  }
0x17b: {  	s23 =	simm.s32 $0x4A00;
	v34 =	vperm.xlane v18, v6;
	v21 =	vadd.s32 v3, v33  }
0x17c: {  	[tilespmem:s23], [sflag:$0x1] =	stream.indirect_vreg.gather [hbm4b:s5+s2], $0x80, v19, vm0, $0xb8;
	[tilespmem:$0x10400] =	vst v63  }
0x17d: {  	v35 =	vperm.xlane v18, v7;
	v19 =	vadd.s32 v3, v34;
	s23 =	simm.s32 $0x4A80  }
0x17e: {  	[tilespmem:s23], [sflag:$0x1] =	stream.indirect_vreg.gather [hbm4b:s5+s2], $0x80, v20, vm0, $0xb8;
	[tilespmem:$0x10400] =	vst v63  }
0x17f: {  	v36 =	vperm.xlane v18, v8;
	v20 =	vadd.s32 v3, v35;
	s23 =	simm.s32 $0x4B00  }
0x180: {  	[tilespmem:s23], [sflag:$0x1] =	stream.indirect_vreg.gather [hbm4b:s5+s2], $0x80, v21, vm0, $0xb8;
	[tilespmem:$0x10400] =	vst v63  }
0x181: {  	v38 =	vperm.xlane v18, v9;
	v37 =	vadd.s32 v3, v36;
	s23 =	simm.s32 $0x4B80  }
0x182: {  	[tilespmem:s23], [sflag:$0x1] =	stream.indirect_vreg.gather [hbm4b:s5+s2], $0x80, v19, vm0, $0xb8;
	[tilespmem:$0x10400] =	vst v63  }
0x183: {  	v39 =	vperm.xlane v18, v1;
	v19 =	vadd.s32 v3, v38;
	s23 =	simm.s32 $0x4C00  }
0x184: {  	[tilespmem:s23], [sflag:$0x1] =	stream.indirect_vreg.gather [hbm4b:s5+s2], $0x80, v20, vm0, $0xb8;
	[tilespmem:$0x10400] =	vst v63  }
0x185: {  	v40 =	vperm.xlane v18, v10;
	v20 =	vadd.s32 v3, v39;
	s23 =	simm.s32 $0x4C80  }
0x186: {  	[tilespmem:s23], [sflag:$0x1] =	stream.indirect_vreg.gather [hbm4b:s5+s2], $0x80, v37, vm0, $0xb8;
	[tilespmem:$0x10400] =	vst v63  }
0x187: {  	v42 =	vperm.xlane v18, v11;
	v41 =	vadd.s32 v3, v40;
	s23 =	simm.s32 $0x4D00  }
0x188: {  	[tilespmem:s23], [sflag:$0x1] =	stream.indirect_vreg.gather [hbm4b:s5+s2], $0x80, v19, vm0, $0xb8;
	[tilespmem:$0x10400] =	vst v63  }
0x189: {  	v43 =	vperm.xlane v18, v12;
	v19 =	vadd.s32 v3, v42;
	s23 =	simm.s32 $0x4D80  }
0x18a: {  	[tilespmem:s23], [sflag:$0x1] =	stream.indirect_vreg.gather [hbm4b:s5+s2], $0x80, v20, vm0, $0xb8;
	[tilespmem:$0x10400] =	vst v63  }
0x18b: {  	v44 =	vperm.xlane v18, v13;
	v20 =	vadd.s32 v3, v43;
	s23 =	simm.s32 $0x4E00  }
0x18c: {  	[tilespmem:s23], [sflag:$0x1] =	stream.indirect_vreg.gather [hbm4b:s5+s2], $0x80, v41, vm0, $0xb8;
	[tilespmem:$0x10400] =	vst v63  }
0x18d: {  	v46 =	vperm.xlane v18, v14;
	v45 =	vadd.s32 v3, v44;
	s23 =	simm.s32 $0x4E80  }
0x18e: {  	[tilespmem:s23], [sflag:$0x1] =	stream.indirect_vreg.gather [hbm4b:s5+s2], $0x80, v19, vm0, $0xb8;
	[tilespmem:$0x10400] =	vst v63  }
0x18f: {  	v47 =	vperm.xlane v18, v15;
	v19 =	vadd.s32 v3, v46;
	s23 =	simm.s32 $0x4F00  }
0x190: {  	[tilespmem:s23], [sflag:$0x1] =	stream.indirect_vreg.gather [hbm4b:s5+s2], $0x80, v20, vm0, $0xb8;
	[tilespmem:$0x10400] =	vst v63  }
0x191: {  	v48 =	vperm.xlane v18, v16;
	v20 =	vadd.s32 v3, v47;
	s23 =	simm.s32 $0x4F80  }
0x192: {  	[tilespmem:s23], [sflag:$0x1] =	stream.indirect_vreg.gather [hbm4b:s5+s2], $0x80, v45, vm0, $0xb8;
	[tilespmem:$0x10400] =	vst v63  }
0x193: {  	v18 =	vperm.xlane v18, v17;
	v49 =	vadd.s32 v3, v48;
	s23 =	simm.s32 $0x5000  }
0x194: {  	[tilespmem:s23], [sflag:$0x1] =	stream.indirect_vreg.gather [hbm4b:s5+s2], $0x80, v19, vm0, $0xb8;
	[tilespmem:$0x10400] =	vst v63  }
0x195: {  	v18 =	vadd.s32 v3, v18;
	s23 =	simm.s32 $0x5080  }
0x196: {  	[tilespmem:s23], [sflag:$0x1] =	stream.indirect_vreg.gather [hbm4b:s5+s2], $0x80, v20, vm0, $0xb8;
	[tilespmem:$0x10400] =	vst v63  }
0x197: {  	s23 =	simm.s32 $0x5100  }
0x198: {  	[tilespmem:s23], [sflag:$0x1] =	stream.indirect_vreg.gather [hbm4b:s5+s2], $0x80, v49, vm0, $0xb8;
	[tilespmem:$0x10400] =	vst v63  }
0x199: {  	s23 =	simm.s32 $0x5180  }
0x19a: {  	[tilespmem:s23], [sflag:$0x1] =	stream.indirect_vreg.gather [hbm4b:s5+s2], $0x80, v18, vm0, $0xb8;
	[tilespmem:$0x10400] =	vst v63  }
0x19b: {  	v18 =	vld [tilespmem:$0xA0];
	_ =	sdelay $0x4  }
0x19c: {  	v19 =	vshll.u32 v18, $0x7  }
0x19d: {  	v18 =	vand.u32 $0x7, v18;
	v19 =	vand.u32 $0xFFFFFC00, v19  }
0x19e: {  	v18 =	vor.u32 v18, v19  }
0x19f: {  	v19 =	vperm.xlane v18, v2;
	_ =	sdelay $0x1  }
0x1a0: {  	v20 =	vperm.xlane v18, v4;
	v19 =	vadd.s32 v3, v19;
	_ =	sdelay $0x1  }
0x1a1: {  	v50 =	vperm.xlane v18, v5;
	v20 =	vadd.s32 v3, v20;
	_ =	sdelay $0x1  }
0x1a2: {  	s23 =	simm.s32 $0x5200;
	v51 =	vperm.xlane v18, v6;
	v21 =	vadd.s32 v3, v50  }
0x1a3: {  	[tilespmem:s23], [sflag:$0x1] =	stream.indirect_vreg.gather [hbm4b:s5+s2], $0x80, v19, vm0, $0xb8;
	[tilespmem:$0x10400] =	vst v63  }
0x1a4: {  	v52 =	vperm.xlane v18, v7;
	v19 =	vadd.s32 v3, v51;
	s23 =	simm.s32 $0x5280  }
0x1a5: {  	[tilespmem:s23], [sflag:$0x1] =	stream.indirect_vreg.gather [hbm4b:s5+s2], $0x80, v20, vm0, $0xb8;
	[tilespmem:$0x10400] =	vst v63  }
0x1a6: {  	v53 =	vperm.xlane v18, v8;
	v20 =	vadd.s32 v3, v52;
	s23 =	simm.s32 $0x5300  }
0x1a7: {  	[tilespmem:s23], [sflag:$0x1] =	stream.indirect_vreg.gather [hbm4b:s5+s2], $0x80, v21, vm0, $0xb8;
	[tilespmem:$0x10400] =	vst v63  }
0x1a8: {  	v55 =	vperm.xlane v18, v9;
	v54 =	vadd.s32 v3, v53;
	s23 =	simm.s32 $0x5380  }
0x1a9: {  	[tilespmem:s23], [sflag:$0x1] =	stream.indirect_vreg.gather [hbm4b:s5+s2], $0x80, v19, vm0, $0xb8;
	[tilespmem:$0x10400] =	vst v63  }
0x1aa: {  	v56 =	vperm.xlane v18, v1;
	v19 =	vadd.s32 v3, v55;
	s23 =	simm.s32 $0x5400  }
0x1ab: {  	[tilespmem:s23], [sflag:$0x1] =	stream.indirect_vreg.gather [hbm4b:s5+s2], $0x80, v20, vm0, $0xb8;
	[tilespmem:$0x10400] =	vst v63  }
0x1ac: {  	v57 =	vperm.xlane v18, v10;
	v20 =	vadd.s32 v3, v56;
	s23 =	simm.s32 $0x5480  }
0x1ad: {  	[tilespmem:s23], [sflag:$0x1] =	stream.indirect_vreg.gather [hbm4b:s5+s2], $0x80, v54, vm0, $0xb8;
	[tilespmem:$0x10400] =	vst v63  }
0x1ae: {  	v59 =	vperm.xlane v18, v11;
	v58 =	vadd.s32 v3, v57;
	s23 =	simm.s32 $0x5500  }
0x1af: {  	[tilespmem:s23], [sflag:$0x1] =	stream.indirect_vreg.gather [hbm4b:s5+s2], $0x80, v19, vm0, $0xb8;
	[tilespmem:$0x10400] =	vst v63  }
0x1b0: {  	v60 =	vperm.xlane v18, v12;
	v19 =	vadd.s32 v3, v59;
	s23 =	simm.s32 $0x5580  }
0x1b1: {  	[tilespmem:s23], [sflag:$0x1] =	stream.indirect_vreg.gather [hbm4b:s5+s2], $0x80, v20, vm0, $0xb8;
	[tilespmem:$0x10400] =	vst v63  }
0x1b2: {  	v61 =	vperm.xlane v18, v13;
	v20 =	vadd.s32 v3, v60;
	s23 =	simm.s32 $0x5600  }
0x1b3: {  	[tilespmem:s23], [sflag:$0x1] =	stream.indirect_vreg.gather [hbm4b:s5+s2], $0x80, v58, vm0, $0xb8;
	[tilespmem:$0x10400] =	vst v63  }
0x1b4: {  	v63 =	vperm.xlane v18, v14;
	v62 =	vadd.s32 v3, v61;
	s23 =	simm.s32 $0x5680  }
0x1b5: {  	[tilespmem:s23], [sflag:$0x1] =	stream.indirect_vreg.gather [hbm4b:s5+s2], $0x80, v19, vm0, $0xb8;
	[tilespmem:$0x10400] =	vst v63  }
0x1b6: {  	v24 =	vperm.xlane v18, v15;
	v19 =	vadd.s32 v3, v63;
	s23 =	simm.s32 $0x5700  }
0x1b7: {  	[tilespmem:s23], [sflag:$0x1] =	stream.indirect_vreg.gather [hbm4b:s5+s2], $0x80, v20, vm0, $0xb8;
	[tilespmem:$0x10400] =	vst v63  }
0x1b8: {  	v25 =	vperm.xlane v18, v16;
	v20 =	vadd.s32 v3, v24;
	s23 =	simm.s32 $0x5780  }
0x1b9: {  	[tilespmem:s23], [sflag:$0x1] =	stream.indirect_vreg.gather [hbm4b:s5+s2], $0x80, v62, vm0, $0xb8;
	[tilespmem:$0x10400] =	vst v63  }
0x1ba: {  	v18 =	vperm.xlane v18, v17;
	v26 =	vadd.s32 v3, v25;
	s23 =	simm.s32 $0x5800  }
0x1bb: {  	[tilespmem:s23], [sflag:$0x1] =	stream.indirect_vreg.gather [hbm4b:s5+s2], $0x80, v19, vm0, $0xb8;
	[tilespmem:$0x10400] =	vst v63  }
0x1bc: {  	v18 =	vadd.s32 v3, v18;
	s23 =	simm.s32 $0x5880  }
0x1bd: {  	[tilespmem:s23], [sflag:$0x1] =	stream.indirect_vreg.gather [hbm4b:s5+s2], $0x80, v20, vm0, $0xb8;
	[tilespmem:$0x10400] =	vst v63  }
0x1be: {  	s23 =	simm.s32 $0x5900  }
0x1bf: {  	[tilespmem:s23], [sflag:$0x1] =	stream.indirect_vreg.gather [hbm4b:s5+s2], $0x80, v26, vm0, $0xb8;
	[tilespmem:$0x10400] =	vst v63  }
0x1c0: {  	s23 =	simm.s32 $0x5980  }
0x1c1: {  	[tilespmem:s23], [sflag:$0x1] =	stream.indirect_vreg.gather [hbm4b:s5+s2], $0x80, v18, vm0, $0xb8;
	[tilespmem:$0x10400] =	vst v63  }
0x1c2: {  	v18 =	vld [tilespmem:$0xB0];
	_ =	sdelay $0x4  }
0x1c3: {  	v19 =	vshll.u32 v18, $0x7  }
0x1c4: {  	v18 =	vand.u32 $0x7, v18;
	v19 =	vand.u32 $0xFFFFFC00, v19  }
0x1c5: {  	v18 =	vor.u32 v18, v19  }
0x1c6: {  	v19 =	vperm.xlane v18, v2;
	_ =	sdelay $0x1  }
0x1c7: {  	v20 =	vperm.xlane v18, v4;
	v19 =	vadd.s32 v3, v19;
	_ =	sdelay $0x1  }
0x1c8: {  	v27 =	vperm.xlane v18, v5;
	v20 =	vadd.s32 v3, v20;
	_ =	sdelay $0x1  }
0x1c9: {  	s23 =	simm.s32 $0x5A00;
	v28 =	vperm.xlane v18, v6;
	v21 =	vadd.s32 v3, v27  }
0x1ca: {  	[tilespmem:s23], [sflag:$0x1] =	stream.indirect_vreg.gather [hbm4b:s5+s2], $0x80, v19, vm0, $0xb8;
	[tilespmem:$0x10400] =	vst v63  }
0x1cb: {  	v29 =	vperm.xlane v18, v7;
	v19 =	vadd.s32 v3, v28;
	s23 =	simm.s32 $0x5A80  }
0x1cc: {  	[tilespmem:s23], [sflag:$0x1] =	stream.indirect_vreg.gather [hbm4b:s5+s2], $0x80, v20, vm0, $0xb8;
	[tilespmem:$0x10400] =	vst v63  }
0x1cd: {  	v30 =	vperm.xlane v18, v8;
	v20 =	vadd.s32 v3, v29;
	s23 =	simm.s32 $0x5B00  }
0x1ce: {  	[tilespmem:s23], [sflag:$0x1] =	stream.indirect_vreg.gather [hbm4b:s5+s2], $0x80, v21, vm0, $0xb8;
	[tilespmem:$0x10400] =	vst v63  }
0x1cf: {  	v32 =	vperm.xlane v18, v9;
	v31 =	vadd.s32 v3, v30;
	s23 =	simm.s32 $0x5B80  }
0x1d0: {  	[tilespmem:s23], [sflag:$0x1] =	stream.indirect_vreg.gather [hbm4b:s5+s2], $0x80, v19, vm0, $0xb8;
	[tilespmem:$0x10400] =	vst v63  }
0x1d1: {  	v33 =	vperm.xlane v18, v1;
	v19 =	vadd.s32 v3, v32;
	s23 =	simm.s32 $0x5C00  }
0x1d2: {  	[tilespmem:s23], [sflag:$0x1] =	stream.indirect_vreg.gather [hbm4b:s5+s2], $0x80, v20, vm0, $0xb8;
	[tilespmem:$0x10400] =	vst v63  }
0x1d3: {  	v34 =	vperm.xlane v18, v10;
	v20 =	vadd.s32 v3, v33;
	s23 =	simm.s32 $0x5C80  }
0x1d4: {  	[tilespmem:s23], [sflag:$0x1] =	stream.indirect_vreg.gather [hbm4b:s5+s2], $0x80, v31, vm0, $0xb8;
	[tilespmem:$0x10400] =	vst v63  }
0x1d5: {  	v36 =	vperm.xlane v18, v11;
	v35 =	vadd.s32 v3, v34;
	s23 =	simm.s32 $0x5D00  }
0x1d6: {  	[tilespmem:s23], [sflag:$0x1] =	stream.indirect_vreg.gather [hbm4b:s5+s2], $0x80, v19, vm0, $0xb8;
	[tilespmem:$0x10400] =	vst v63  }
0x1d7: {  	v37 =	vperm.xlane v18, v12;
	v19 =	vadd.s32 v3, v36;
	s23 =	simm.s32 $0x5D80  }
0x1d8: {  	[tilespmem:s23], [sflag:$0x1] =	stream.indirect_vreg.gather [hbm4b:s5+s2], $0x80, v20, vm0, $0xb8;
	[tilespmem:$0x10400] =	vst v63  }
0x1d9: {  	v38 =	vperm.xlane v18, v13;
	v20 =	vadd.s32 v3, v37;
	s23 =	simm.s32 $0x5E00  }
0x1da: {  	[tilespmem:s23], [sflag:$0x1] =	stream.indirect_vreg.gather [hbm4b:s5+s2], $0x80, v35, vm0, $0xb8;
	[tilespmem:$0x10400] =	vst v63  }
0x1db: {  	v40 =	vperm.xlane v18, v14;
	v39 =	vadd.s32 v3, v38;
	s23 =	simm.s32 $0x5E80  }
0x1dc: {  	[tilespmem:s23], [sflag:$0x1] =	stream.indirect_vreg.gather [hbm4b:s5+s2], $0x80, v19, vm0, $0xb8;
	[tilespmem:$0x10400] =	vst v63  }
0x1dd: {  	v41 =	vperm.xlane v18, v15;
	v19 =	vadd.s32 v3, v40;
	s23 =	simm.s32 $0x5F00  }
0x1de: {  	[tilespmem:s23], [sflag:$0x1] =	stream.indirect_vreg.gather [hbm4b:s5+s2], $0x80, v20, vm0, $0xb8;
	[tilespmem:$0x10400] =	vst v63  }
0x1df: {  	v42 =	vperm.xlane v18, v16;
	v20 =	vadd.s32 v3, v41;
	s23 =	simm.s32 $0x5F80  }
0x1e0: {  	[tilespmem:s23], [sflag:$0x1] =	stream.indirect_vreg.gather [hbm4b:s5+s2], $0x80, v39, vm0, $0xb8;
	[tilespmem:$0x10400] =	vst v63  }
0x1e1: {  	v18 =	vperm.xlane v18, v17;
	v43 =	vadd.s32 v3, v42;
	s23 =	simm.s32 $0x6000  }
0x1e2: {  	[tilespmem:s23], [sflag:$0x1] =	stream.indirect_vreg.gather [hbm4b:s5+s2], $0x80, v19, vm0, $0xb8;
	[tilespmem:$0x10400] =	vst v63  }
0x1e3: {  	v18 =	vadd.s32 v3, v18;
	s23 =	simm.s32 $0x6080  }
0x1e4: {  	[tilespmem:s23], [sflag:$0x1] =	stream.indirect_vreg.gather [hbm4b:s5+s2], $0x80, v20, vm0, $0xb8;
	[tilespmem:$0x10400] =	vst v63  }
0x1e5: {  	s23 =	simm.s32 $0x6100  }
0x1e6: {  	[tilespmem:s23], [sflag:$0x1] =	stream.indirect_vreg.gather [hbm4b:s5+s2], $0x80, v43, vm0, $0xb8;
	[tilespmem:$0x10400] =	vst v63  }
0x1e7: {  	s23 =	simm.s32 $0x6180  }
0x1e8: {  	[tilespmem:s23], [sflag:$0x1] =	stream.indirect_vreg.gather [hbm4b:s5+s2], $0x80, v18, vm0, $0xb8;
	[tilespmem:$0x10400] =	vst v63  }
0x1e9: {  	v18 =	vld [tilespmem:$0xC0];
	_ =	sdelay $0x4  }
0x1ea: {  	v19 =	vshll.u32 v18, $0x7  }
0x1eb: {  	v18 =	vand.u32 $0x7, v18;
	v19 =	vand.u32 $0xFFFFFC00, v19  }
0x1ec: {  	v18 =	vor.u32 v18, v19  }
0x1ed: {  	v19 =	vperm.xlane v18, v2;
	_ =	sdelay $0x1  }
0x1ee: {  	v20 =	vperm.xlane v18, v4;
	v19 =	vadd.s32 v3, v19;
	_ =	sdelay $0x1  }
0x1ef: {  	v44 =	vperm.xlane v18, v5;
	v20 =	vadd.s32 v3, v20;
	_ =	sdelay $0x1  }
0x1f0: {  	s23 =	simm.s32 $0x6200;
	v45 =	vperm.xlane v18, v6;
	v21 =	vadd.s32 v3, v44  }
0x1f1: {  	[tilespmem:s23], [sflag:$0x1] =	stream.indirect_vreg.gather [hbm4b:s5+s2], $0x80, v19, vm0, $0xb8;
	[tilespmem:$0x10400] =	vst v63  }
0x1f2: {  	v46 =	vperm.xlane v18, v7;
	v19 =	vadd.s32 v3, v45;
	s23 =	simm.s32 $0x6280  }
0x1f3: {  	[tilespmem:s23], [sflag:$0x1] =	stream.indirect_vreg.gather [hbm4b:s5+s2], $0x80, v20, vm0, $0xb8;
	[tilespmem:$0x10400] =	vst v63  }
0x1f4: {  	v47 =	vperm.xlane v18, v8;
	v20 =	vadd.s32 v3, v46;
	s23 =	simm.s32 $0x6300  }
0x1f5: {  	[tilespmem:s23], [sflag:$0x1] =	stream.indirect_vreg.gather [hbm4b:s5+s2], $0x80, v21, vm0, $0xb8;
	[tilespmem:$0x10400] =	vst v63  }
0x1f6: {  	v49 =	vperm.xlane v18, v9;
	v48 =	vadd.s32 v3, v47;
	s23 =	simm.s32 $0x6380  }
0x1f7: {  	[tilespmem:s23], [sflag:$0x1] =	stream.indirect_vreg.gather [hbm4b:s5+s2], $0x80, v19, vm0, $0xb8;
	[tilespmem:$0x10400] =	vst v63  }
0x1f8: {  	v50 =	vperm.xlane v18, v1;
	v19 =	vadd.s32 v3, v49;
	s23 =	simm.s32 $0x6400  }
0x1f9: {  	[tilespmem:s23], [sflag:$0x1] =	stream.indirect_vreg.gather [hbm4b:s5+s2], $0x80, v20, vm0, $0xb8;
	[tilespmem:$0x10400] =	vst v63  }
0x1fa: {  	v51 =	vperm.xlane v18, v10;
	v20 =	vadd.s32 v3, v50;
	s23 =	simm.s32 $0x6480  }
0x1fb: {  	[tilespmem:s23], [sflag:$0x1] =	stream.indirect_vreg.gather [hbm4b:s5+s2], $0x80, v48, vm0, $0xb8;
	[tilespmem:$0x10400] =	vst v63  }
0x1fc: {  	v53 =	vperm.xlane v18, v11;
	v52 =	vadd.s32 v3, v51;
	s23 =	simm.s32 $0x6500  }
0x1fd: {  	[tilespmem:s23], [sflag:$0x1] =	stream.indirect_vreg.gather [hbm4b:s5+s2], $0x80, v19, vm0, $0xb8;
	[tilespmem:$0x10400] =	vst v63  }
0x1fe: {  	v54 =	vperm.xlane v18, v12;
	v19 =	vadd.s32 v3, v53;
	s23 =	simm.s32 $0x6580  }
0x1ff: {  	[tilespmem:s23], [sflag:$0x1] =	stream.indirect_vreg.gather [hbm4b:s5+s2], $0x80, v20, vm0, $0xb8;
	[tilespmem:$0x10400] =	vst v63  }
0x200: {  	v55 =	vperm.xlane v18, v13;
	v20 =	vadd.s32 v3, v54;
	s23 =	simm.s32 $0x6600  }
0x201: {  	[tilespmem:s23], [sflag:$0x1] =	stream.indirect_vreg.gather [hbm4b:s5+s2], $0x80, v52, vm0, $0xb8;
	[tilespmem:$0x10400] =	vst v63  }
0x202: {  	v57 =	vperm.xlane v18, v14;
	v56 =	vadd.s32 v3, v55;
	s23 =	simm.s32 $0x6680  }
0x203: {  	[tilespmem:s23], [sflag:$0x1] =	stream.indirect_vreg.gather [hbm4b:s5+s2], $0x80, v19, vm0, $0xb8;
	[tilespmem:$0x10400] =	vst v63  }
0x204: {  	v58 =	vperm.xlane v18, v15;
	v19 =	vadd.s32 v3, v57;
	s23 =	simm.s32 $0x6700  }
0x205: {  	[tilespmem:s23], [sflag:$0x1] =	stream.indirect_vreg.gather [hbm4b:s5+s2], $0x80, v20, vm0, $0xb8;
	[tilespmem:$0x10400] =	vst v63  }
0x206: {  	v59 =	vperm.xlane v18, v16;
	v20 =	vadd.s32 v3, v58;
	s23 =	simm.s32 $0x6780  }
0x207: {  	[tilespmem:s23], [sflag:$0x1] =	stream.indirect_vreg.gather [hbm4b:s5+s2], $0x80, v56, vm0, $0xb8;
	[tilespmem:$0x10400] =	vst v63  }
0x208: {  	v18 =	vperm.xlane v18, v17;
	v60 =	vadd.s32 v3, v59;
	s23 =	simm.s32 $0x6800  }
0x209: {  	[tilespmem:s23], [sflag:$0x1] =	stream.indirect_vreg.gather [hbm4b:s5+s2], $0x80, v19, vm0, $0xb8;
	[tilespmem:$0x10400] =	vst v63  }
0x20a: {  	v18 =	vadd.s32 v3, v18;
	s23 =	simm.s32 $0x6880  }
0x20b: {  	[tilespmem:s23], [sflag:$0x1] =	stream.indirect_vreg.gather [hbm4b:s5+s2], $0x80, v20, vm0, $0xb8;
	[tilespmem:$0x10400] =	vst v63  }
0x20c: {  	s23 =	simm.s32 $0x6900  }
0x20d: {  	[tilespmem:s23], [sflag:$0x1] =	stream.indirect_vreg.gather [hbm4b:s5+s2], $0x80, v60, vm0, $0xb8;
	[tilespmem:$0x10400] =	vst v63  }
0x20e: {  	s23 =	simm.s32 $0x6980  }
0x20f: {  	[tilespmem:s23], [sflag:$0x1] =	stream.indirect_vreg.gather [hbm4b:s5+s2], $0x80, v18, vm0, $0xb8;
	[tilespmem:$0x10400] =	vst v63  }
0x210: {  	v18 =	vld [tilespmem:$0xD0];
	_ =	sdelay $0x4  }
0x211: {  	v19 =	vshll.u32 v18, $0x7  }
0x212: {  	v18 =	vand.u32 $0x7, v18;
	v19 =	vand.u32 $0xFFFFFC00, v19  }
0x213: {  	v18 =	vor.u32 v18, v19  }
0x214: {  	v19 =	vperm.xlane v18, v2;
	_ =	sdelay $0x1  }
0x215: {  	v20 =	vperm.xlane v18, v4;
	v19 =	vadd.s32 v3, v19;
	_ =	sdelay $0x1  }
0x216: {  	v61 =	vperm.xlane v18, v5;
	v20 =	vadd.s32 v3, v20;
	_ =	sdelay $0x1  }
0x217: {  	s23 =	simm.s32 $0x6A00;
	v62 =	vperm.xlane v18, v6;
	v21 =	vadd.s32 v3, v61  }
0x218: {  	[tilespmem:s23], [sflag:$0x1] =	stream.indirect_vreg.gather [hbm4b:s5+s2], $0x80, v19, vm0, $0xb8;
	[tilespmem:$0x10400] =	vst v63  }
0x219: {  	v63 =	vperm.xlane v18, v7;
	v19 =	vadd.s32 v3, v62;
	s23 =	simm.s32 $0x6A80  }
0x21a: {  	[tilespmem:s23], [sflag:$0x1] =	stream.indirect_vreg.gather [hbm4b:s5+s2], $0x80, v20, vm0, $0xb8;
	[tilespmem:$0x10400] =	vst v63  }
0x21b: {  	v24 =	vperm.xlane v18, v8;
	v20 =	vadd.s32 v3, v63;
	s23 =	simm.s32 $0x6B00  }
0x21c: {  	[tilespmem:s23], [sflag:$0x1] =	stream.indirect_vreg.gather [hbm4b:s5+s2], $0x80, v21, vm0, $0xb8;
	[tilespmem:$0x10400] =	vst v63  }
0x21d: {  	v26 =	vperm.xlane v18, v9;
	v25 =	vadd.s32 v3, v24;
	s23 =	simm.s32 $0x6B80  }
0x21e: {  	[tilespmem:s23], [sflag:$0x1] =	stream.indirect_vreg.gather [hbm4b:s5+s2], $0x80, v19, vm0, $0xb8;
	[tilespmem:$0x10400] =	vst v63  }
0x21f: {  	v27 =	vperm.xlane v18, v1;
	v19 =	vadd.s32 v3, v26;
	s23 =	simm.s32 $0x6C00  }
0x220: {  	[tilespmem:s23], [sflag:$0x1] =	stream.indirect_vreg.gather [hbm4b:s5+s2], $0x80, v20, vm0, $0xb8;
	[tilespmem:$0x10400] =	vst v63  }
0x221: {  	v28 =	vperm.xlane v18, v10;
	v20 =	vadd.s32 v3, v27;
	s23 =	simm.s32 $0x6C80  }
0x222: {  	[tilespmem:s23], [sflag:$0x1] =	stream.indirect_vreg.gather [hbm4b:s5+s2], $0x80, v25, vm0, $0xb8;
	[tilespmem:$0x10400] =	vst v63  }
0x223: {  	v30 =	vperm.xlane v18, v11;
	v29 =	vadd.s32 v3, v28;
	s23 =	simm.s32 $0x6D00  }
0x224: {  	[tilespmem:s23], [sflag:$0x1] =	stream.indirect_vreg.gather [hbm4b:s5+s2], $0x80, v19, vm0, $0xb8;
	[tilespmem:$0x10400] =	vst v63  }
0x225: {  	v31 =	vperm.xlane v18, v12;
	v19 =	vadd.s32 v3, v30;
	s23 =	simm.s32 $0x6D80  }
0x226: {  	[tilespmem:s23], [sflag:$0x1] =	stream.indirect_vreg.gather [hbm4b:s5+s2], $0x80, v20, vm0, $0xb8;
	[tilespmem:$0x10400] =	vst v63  }
0x227: {  	v32 =	vperm.xlane v18, v13;
	v20 =	vadd.s32 v3, v31;
	s23 =	simm.s32 $0x6E00  }
0x228: {  	[tilespmem:s23], [sflag:$0x1] =	stream.indirect_vreg.gather [hbm4b:s5+s2], $0x80, v29, vm0, $0xb8;
	[tilespmem:$0x10400] =	vst v63  }
0x229: {  	v34 =	vperm.xlane v18, v14;
	v33 =	vadd.s32 v3, v32;
	s23 =	simm.s32 $0x6E80  }
0x22a: {  	[tilespmem:s23], [sflag:$0x1] =	stream.indirect_vreg.gather [hbm4b:s5+s2], $0x80, v19, vm0, $0xb8;
	[tilespmem:$0x10400] =	vst v63  }
0x22b: {  	v35 =	vperm.xlane v18, v15;
	v19 =	vadd.s32 v3, v34;
	s23 =	simm.s32 $0x6F00  }
0x22c: {  	[tilespmem:s23], [sflag:$0x1] =	stream.indirect_vreg.gather [hbm4b:s5+s2], $0x80, v20, vm0, $0xb8;
	[tilespmem:$0x10400] =	vst v63  }
0x22d: {  	v36 =	vperm.xlane v18, v16;
	v20 =	vadd.s32 v3, v35;
	s23 =	simm.s32 $0x6F80  }
0x22e: {  	[tilespmem:s23], [sflag:$0x1] =	stream.indirect_vreg.gather [hbm4b:s5+s2], $0x80, v33, vm0, $0xb8;
	[tilespmem:$0x10400] =	vst v63  }
0x22f: {  	v18 =	vperm.xlane v18, v17;
	v37 =	vadd.s32 v3, v36;
	s23 =	simm.s32 $0x7000  }
0x230: {  	[tilespmem:s23], [sflag:$0x1] =	stream.indirect_vreg.gather [hbm4b:s5+s2], $0x80, v19, vm0, $0xb8;
	[tilespmem:$0x10400] =	vst v63  }
0x231: {  	v18 =	vadd.s32 v3, v18;
	s23 =	simm.s32 $0x7080  }
0x232: {  	[tilespmem:s23], [sflag:$0x1] =	stream.indirect_vreg.gather [hbm4b:s5+s2], $0x80, v20, vm0, $0xb8;
	[tilespmem:$0x10400] =	vst v63  }
0x233: {  	s23 =	simm.s32 $0x7100  }
0x234: {  	[tilespmem:s23], [sflag:$0x1] =	stream.indirect_vreg.gather [hbm4b:s5+s2], $0x80, v37, vm0, $0xb8;
	[tilespmem:$0x10400] =	vst v63  }
0x235: {  	s23 =	simm.s32 $0x7180  }
0x236: {  	[tilespmem:s23], [sflag:$0x1] =	stream.indirect_vreg.gather [hbm4b:s5+s2], $0x80, v18, vm0, $0xb8;
	[tilespmem:$0x10400] =	vst v63  }
0x237: {  	v18 =	vld [tilespmem:$0xE0];
	_ =	sdelay $0x4  }
0x238: {  	v19 =	vshll.u32 v18, $0x7  }
0x239: {  	v18 =	vand.u32 $0x7, v18;
	v19 =	vand.u32 $0xFFFFFC00, v19  }
0x23a: {  	v18 =	vor.u32 v18, v19  }
0x23b: {  	v19 =	vperm.xlane v18, v2;
	_ =	sdelay $0x1  }
0x23c: {  	v20 =	vperm.xlane v18, v4;
	v19 =	vadd.s32 v3, v19;
	_ =	sdelay $0x1  }
0x23d: {  	v38 =	vperm.xlane v18, v5;
	v20 =	vadd.s32 v3, v20;
	_ =	sdelay $0x1  }
0x23e: {  	s23 =	simm.s32 $0x7200;
	v39 =	vperm.xlane v18, v6;
	v21 =	vadd.s32 v3, v38  }
0x23f: {  	[tilespmem:s23], [sflag:$0x1] =	stream.indirect_vreg.gather [hbm4b:s5+s2], $0x80, v19, vm0, $0xb8;
	[tilespmem:$0x10400] =	vst v63  }
0x240: {  	v40 =	vperm.xlane v18, v7;
	v19 =	vadd.s32 v3, v39;
	s23 =	simm.s32 $0x7280  }
0x241: {  	[tilespmem:s23], [sflag:$0x1] =	stream.indirect_vreg.gather [hbm4b:s5+s2], $0x80, v20, vm0, $0xb8;
	[tilespmem:$0x10400] =	vst v63  }
0x242: {  	v41 =	vperm.xlane v18, v8;
	v20 =	vadd.s32 v3, v40;
	s23 =	simm.s32 $0x7300  }
0x243: {  	[tilespmem:s23], [sflag:$0x1] =	stream.indirect_vreg.gather [hbm4b:s5+s2], $0x80, v21, vm0, $0xb8;
	[tilespmem:$0x10400] =	vst v63  }
0x244: {  	v43 =	vperm.xlane v18, v9;
	v42 =	vadd.s32 v3, v41;
	s23 =	simm.s32 $0x7380  }
0x245: {  	[tilespmem:s23], [sflag:$0x1] =	stream.indirect_vreg.gather [hbm4b:s5+s2], $0x80, v19, vm0, $0xb8;
	[tilespmem:$0x10400] =	vst v63  }
0x246: {  	v44 =	vperm.xlane v18, v1;
	v19 =	vadd.s32 v3, v43;
	s23 =	simm.s32 $0x7400  }
0x247: {  	[tilespmem:s23], [sflag:$0x1] =	stream.indirect_vreg.gather [hbm4b:s5+s2], $0x80, v20, vm0, $0xb8;
	[tilespmem:$0x10400] =	vst v63  }
0x248: {  	v45 =	vperm.xlane v18, v10;
	v20 =	vadd.s32 v3, v44;
	s23 =	simm.s32 $0x7480  }
0x249: {  	[tilespmem:s23], [sflag:$0x1] =	stream.indirect_vreg.gather [hbm4b:s5+s2], $0x80, v42, vm0, $0xb8;
	[tilespmem:$0x10400] =	vst v63  }
0x24a: {  	v47 =	vperm.xlane v18, v11;
	v46 =	vadd.s32 v3, v45;
	s23 =	simm.s32 $0x7500  }
0x24b: {  	[tilespmem:s23], [sflag:$0x1] =	stream.indirect_vreg.gather [hbm4b:s5+s2], $0x80, v19, vm0, $0xb8;
	[tilespmem:$0x10400] =	vst v63  }
0x24c: {  	v48 =	vperm.xlane v18, v12;
	v19 =	vadd.s32 v3, v47;
	s23 =	simm.s32 $0x7580  }
0x24d: {  	[tilespmem:s23], [sflag:$0x1] =	stream.indirect_vreg.gather [hbm4b:s5+s2], $0x80, v20, vm0, $0xb8;
	[tilespmem:$0x10400] =	vst v63  }
0x24e: {  	v49 =	vperm.xlane v18, v13;
	v20 =	vadd.s32 v3, v48;
	s23 =	simm.s32 $0x7600  }
0x24f: {  	[tilespmem:s23], [sflag:$0x1] =	stream.indirect_vreg.gather [hbm4b:s5+s2], $0x80, v46, vm0, $0xb8;
	[tilespmem:$0x10400] =	vst v63  }
0x250: {  	v51 =	vperm.xlane v18, v14;
	v50 =	vadd.s32 v3, v49;
	s23 =	simm.s32 $0x7680  }
0x251: {  	[tilespmem:s23], [sflag:$0x1] =	stream.indirect_vreg.gather [hbm4b:s5+s2], $0x80, v19, vm0, $0xb8;
	[tilespmem:$0x10400] =	vst v63  }
0x252: {  	v52 =	vperm.xlane v18, v15;
	v19 =	vadd.s32 v3, v51;
	s23 =	simm.s32 $0x7700  }
0x253: {  	[tilespmem:s23], [sflag:$0x1] =	stream.indirect_vreg.gather [hbm4b:s5+s2], $0x80, v20, vm0, $0xb8;
	[tilespmem:$0x10400] =	vst v63  }
0x254: {  	v53 =	vperm.xlane v18, v16;
	v20 =	vadd.s32 v3, v52;
	s23 =	simm.s32 $0x7780  }
0x255: {  	[tilespmem:s23], [sflag:$0x1] =	stream.indirect_vreg.gather [hbm4b:s5+s2], $0x80, v50, vm0, $0xb8;
	[tilespmem:$0x10400] =	vst v63  }
0x256: {  	v18 =	vperm.xlane v18, v17;
	v54 =	vadd.s32 v3, v53;
	s23 =	simm.s32 $0x7800  }
0x257: {  	[tilespmem:s23], [sflag:$0x1] =	stream.indirect_vreg.gather [hbm4b:s5+s2], $0x80, v19, vm0, $0xb8;
	[tilespmem:$0x10400] =	vst v63  }
0x258: {  	v18 =	vadd.s32 v3, v18;
	s23 =	simm.s32 $0x7880  }
0x259: {  	[tilespmem:s23], [sflag:$0x1] =	stream.indirect_vreg.gather [hbm4b:s5+s2], $0x80, v20, vm0, $0xb8;
	[tilespmem:$0x10400] =	vst v63  }
0x25a: {  	s23 =	simm.s32 $0x7900  }
0x25b: {  	[tilespmem:s23], [sflag:$0x1] =	stream.indirect_vreg.gather [hbm4b:s5+s2], $0x80, v54, vm0, $0xb8;
	[tilespmem:$0x10400] =	vst v63  }
0x25c: {  	s23 =	simm.s32 $0x7980  }
0x25d: {  	[tilespmem:s23], [sflag:$0x1] =	stream.indirect_vreg.gather [hbm4b:s5+s2], $0x80, v18, vm0, $0xb8;
	[tilespmem:$0x10400] =	vst v63  }
0x25e: {  	v18 =	vld [tilespmem:$0xF0];
	_ =	sdelay $0x4  }
0x25f: {  	v19 =	vshll.u32 v18, $0x7  }
0x260: {  	v18 =	vand.u32 $0x7, v18;
	v19 =	vand.u32 $0xFFFFFC00, v19  }
0x261: {  	v18 =	vor.u32 v18, v19  }
0x262: {  	v19 =	vperm.xlane v18, v2;
	_ =	sdelay $0x1  }
0x263: {  	v20 =	vperm.xlane v18, v4;
	v19 =	vadd.s32 v3, v19;
	_ =	sdelay $0x1  }
0x264: {  	v55 =	vperm.xlane v18, v5;
	v20 =	vadd.s32 v3, v20;
	_ =	sdelay $0x1  }
0x265: {  	s23 =	simm.s32 $0x7A00;
	v56 =	vperm.xlane v18, v6;
	v21 =	vadd.s32 v3, v55  }
0x266: {  	[tilespmem:s23], [sflag:$0x1] =	stream.indirect_vreg.gather [hbm4b:s5+s2], $0x80, v19, vm0, $0xb8;
	[tilespmem:$0x10400] =	vst v63  }
0x267: {  	v57 =	vperm.xlane v18, v7;
	v19 =	vadd.s32 v3, v56;
	s23 =	simm.s32 $0x7A80  }
0x268: {  	[tilespmem:s23], [sflag:$0x1] =	stream.indirect_vreg.gather [hbm4b:s5+s2], $0x80, v20, vm0, $0xb8;
	[tilespmem:$0x10400] =	vst v63  }
0x269: {  	v58 =	vperm.xlane v18, v8;
	v20 =	vadd.s32 v3, v57;
	s23 =	simm.s32 $0x7B00  }
0x26a: {  	[tilespmem:s23], [sflag:$0x1] =	stream.indirect_vreg.gather [hbm4b:s5+s2], $0x80, v21, vm0, $0xb8;
	[tilespmem:$0x10400] =	vst v63  }
0x26b: {  	v60 =	vperm.xlane v18, v9;
	v59 =	vadd.s32 v3, v58;
	s23 =	simm.s32 $0x7B80  }
0x26c: {  	[tilespmem:s23], [sflag:$0x1] =	stream.indirect_vreg.gather [hbm4b:s5+s2], $0x80, v19, vm0, $0xb8;
	[tilespmem:$0x10400] =	vst v63  }
0x26d: {  	v61 =	vperm.xlane v18, v1;
	v19 =	vadd.s32 v3, v60;
	s23 =	simm.s32 $0x7C00  }
0x26e: {  	[tilespmem:s23], [sflag:$0x1] =	stream.indirect_vreg.gather [hbm4b:s5+s2], $0x80, v20, vm0, $0xb8;
	[tilespmem:$0x10400] =	vst v63  }
0x26f: {  	v62 =	vperm.xlane v18, v10;
	v20 =	vadd.s32 v3, v61;
	s23 =	simm.s32 $0x7C80  }
0x270: {  	[tilespmem:s23], [sflag:$0x1] =	stream.indirect_vreg.gather [hbm4b:s5+s2], $0x80, v59, vm0, $0xb8;
	[tilespmem:$0x10400] =	vst v63  }
0x271: {  	v24 =	vperm.xlane v18, v11;
	v63 =	vadd.s32 v3, v62;
	s23 =	simm.s32 $0x7D00  }
0x272: {  	[tilespmem:s23], [sflag:$0x1] =	stream.indirect_vreg.gather [hbm4b:s5+s2], $0x80, v19, vm0, $0xb8;
	[tilespmem:$0x10400] =	vst v63  }
0x273: {  	v25 =	vperm.xlane v18, v12;
	v19 =	vadd.s32 v3, v24;
	s23 =	simm.s32 $0x7D80  }
0x274: {  	[tilespmem:s23], [sflag:$0x1] =	stream.indirect_vreg.gather [hbm4b:s5+s2], $0x80, v20, vm0, $0xb8;
	[tilespmem:$0x10400] =	vst v63  }
0x275: {  	v26 =	vperm.xlane v18, v13;
	v20 =	vadd.s32 v3, v25;
	s23 =	simm.s32 $0x7E00  }
0x276: {  	[tilespmem:s23], [sflag:$0x1] =	stream.indirect_vreg.gather [hbm4b:s5+s2], $0x80, v63, vm0, $0xb8;
	[tilespmem:$0x10400] =	vst v63  }
0x277: {  	v28 =	vperm.xlane v18, v14;
	v27 =	vadd.s32 v3, v26;
	s23 =	simm.s32 $0x7E80  }
0x278: {  	[tilespmem:s23], [sflag:$0x1] =	stream.indirect_vreg.gather [hbm4b:s5+s2], $0x80, v19, vm0, $0xb8;
	[tilespmem:$0x10400] =	vst v63  }
0x279: {  	v29 =	vperm.xlane v18, v15;
	v19 =	vadd.s32 v3, v28;
	s23 =	simm.s32 $0x7F00  }
0x27a: {  	[tilespmem:s23], [sflag:$0x1] =	stream.indirect_vreg.gather [hbm4b:s5+s2], $0x80, v20, vm0, $0xb8;
	[tilespmem:$0x10400] =	vst v63  }
0x27b: {  	v30 =	vperm.xlane v18, v16;
	v20 =	vadd.s32 v3, v29;
	s23 =	simm.s32 $0x7F80  }
0x27c: {  	[tilespmem:s23], [sflag:$0x1] =	stream.indirect_vreg.gather [hbm4b:s5+s2], $0x80, v27, vm0, $0xb8;
	[tilespmem:$0x10400] =	vst v63  }
0x27d: {  	v18 =	vperm.xlane v18, v17;
	v31 =	vadd.s32 v3, v30;
	s23 =	simm.s32 $0x8000  }
0x27e: {  	[tilespmem:s23], [sflag:$0x1] =	stream.indirect_vreg.gather [hbm4b:s5+s2], $0x80, v19, vm0, $0xb8;
	[tilespmem:$0x10400] =	vst v63  }
0x27f: {  	v18 =	vadd.s32 v3, v18;
	s23 =	simm.s32 $0x8080  }
0x280: {  	[tilespmem:s23], [sflag:$0x1] =	stream.indirect_vreg.gather [hbm4b:s5+s2], $0x80, v20, vm0, $0xb8;
	[tilespmem:$0x10400] =	vst v63  }
0x281: {  	s23 =	simm.s32 $0x8100  }
0x282: {  	[tilespmem:s23], [sflag:$0x1] =	stream.indirect_vreg.gather [hbm4b:s5+s2], $0x80, v31, vm0, $0xb8;
	[tilespmem:$0x10400] =	vst v63  }
0x283: {  	s23 =	simm.s32 $0x8180  }
0x284: {  	[tilespmem:s23], [sflag:$0x1] =	stream.indirect_vreg.gather [hbm4b:s5+s2], $0x80, v18, vm0, $0xb8;
	[tilespmem:$0x10400] =	vst v63  }
0x285: {  	v18 =	vld [tilespmem:$0x100];
	_ =	sdelay $0x4  }
0x286: {  	v19 =	vshll.u32 v18, $0x7  }
0x287: {  	v18 =	vand.u32 $0x7, v18;
	v19 =	vand.u32 $0xFFFFFC00, v19  }
0x288: {  	v18 =	vor.u32 v18, v19  }
0x289: {  	v19 =	vperm.xlane v18, v2;
	_ =	sdelay $0x1  }
0x28a: {  	v20 =	vperm.xlane v18, v4;
	v19 =	vadd.s32 v3, v19;
	_ =	sdelay $0x1  }
0x28b: {  	v32 =	vperm.xlane v18, v5;
	v20 =	vadd.s32 v3, v20;
	_ =	sdelay $0x1  }
0x28c: {  	s23 =	simm.s32 $0x8200;
	v33 =	vperm.xlane v18, v6;
	v21 =	vadd.s32 v3, v32  }
0x28d: {  	[tilespmem:s23], [sflag:$0x1] =	stream.indirect_vreg.gather [hbm4b:s6+s2], $0x80, v19, vm0, $0xb8;
	[tilespmem:$0x10400] =	vst v63  }
0x28e: {  	v34 =	vperm.xlane v18, v7;
	v19 =	vadd.s32 v3, v33;
	s23 =	simm.s32 $0x8280  }
0x28f: {  	[tilespmem:s23], [sflag:$0x1] =	stream.indirect_vreg.gather [hbm4b:s6+s2], $0x80, v20, vm0, $0xb8;
	[tilespmem:$0x10400] =	vst v63  }
0x290: {  	v35 =	vperm.xlane v18, v8;
	v20 =	vadd.s32 v3, v34;
	s23 =	simm.s32 $0x8300  }
0x291: {  	[tilespmem:s23], [sflag:$0x1] =	stream.indirect_vreg.gather [hbm4b:s6+s2], $0x80, v21, vm0, $0xb8;
	[tilespmem:$0x10400] =	vst v63  }
0x292: {  	v37 =	vperm.xlane v18, v9;
	v36 =	vadd.s32 v3, v35;
	s23 =	simm.s32 $0x8380  }
0x293: {  	[tilespmem:s23], [sflag:$0x1] =	stream.indirect_vreg.gather [hbm4b:s6+s2], $0x80, v19, vm0, $0xb8;
	[tilespmem:$0x10400] =	vst v63  }
0x294: {  	v38 =	vperm.xlane v18, v1;
	v19 =	vadd.s32 v3, v37;
	s23 =	simm.s32 $0x8400  }
0x295: {  	[tilespmem:s23], [sflag:$0x1] =	stream.indirect_vreg.gather [hbm4b:s6+s2], $0x80, v20, vm0, $0xb8;
	[tilespmem:$0x10400] =	vst v63  }
0x296: {  	v39 =	vperm.xlane v18, v10;
	v20 =	vadd.s32 v3, v38;
	s23 =	simm.s32 $0x8480  }
0x297: {  	[tilespmem:s23], [sflag:$0x1] =	stream.indirect_vreg.gather [hbm4b:s6+s2], $0x80, v36, vm0, $0xb8;
	[tilespmem:$0x10400] =	vst v63  }
0x298: {  	v41 =	vperm.xlane v18, v11;
	v40 =	vadd.s32 v3, v39;
	s23 =	simm.s32 $0x8500  }
0x299: {  	[tilespmem:s23], [sflag:$0x1] =	stream.indirect_vreg.gather [hbm4b:s6+s2], $0x80, v19, vm0, $0xb8;
	[tilespmem:$0x10400] =	vst v63  }
0x29a: {  	v42 =	vperm.xlane v18, v12;
	v19 =	vadd.s32 v3, v41;
	s23 =	simm.s32 $0x8580  }
0x29b: {  	[tilespmem:s23], [sflag:$0x1] =	stream.indirect_vreg.gather [hbm4b:s6+s2], $0x80, v20, vm0, $0xb8;
	[tilespmem:$0x10400] =	vst v63  }
0x29c: {  	v43 =	vperm.xlane v18, v13;
	v20 =	vadd.s32 v3, v42;
	s23 =	simm.s32 $0x8600  }
0x29d: {  	[tilespmem:s23], [sflag:$0x1] =	stream.indirect_vreg.gather [hbm4b:s6+s2], $0x80, v40, vm0, $0xb8;
	[tilespmem:$0x10400] =	vst v63  }
0x29e: {  	v45 =	vperm.xlane v18, v14;
	v44 =	vadd.s32 v3, v43;
	s23 =	simm.s32 $0x8680  }
0x29f: {  	[tilespmem:s23], [sflag:$0x1] =	stream.indirect_vreg.gather [hbm4b:s6+s2], $0x80, v19, vm0, $0xb8;
	[tilespmem:$0x10400] =	vst v63  }
0x2a0: {  	v46 =	vperm.xlane v18, v15;
	v19 =	vadd.s32 v3, v45;
	s23 =	simm.s32 $0x8700  }
0x2a1: {  	[tilespmem:s23], [sflag:$0x1] =	stream.indirect_vreg.gather [hbm4b:s6+s2], $0x80, v20, vm0, $0xb8;
	[tilespmem:$0x10400] =	vst v63  }
0x2a2: {  	v47 =	vperm.xlane v18, v16;
	v20 =	vadd.s32 v3, v46;
	s23 =	simm.s32 $0x8780  }
0x2a3: {  	[tilespmem:s23], [sflag:$0x1] =	stream.indirect_vreg.gather [hbm4b:s6+s2], $0x80, v44, vm0, $0xb8;
	[tilespmem:$0x10400] =	vst v63  }
0x2a4: {  	v18 =	vperm.xlane v18, v17;
	v48 =	vadd.s32 v3, v47;
	s23 =	simm.s32 $0x8800  }
0x2a5: {  	[tilespmem:s23], [sflag:$0x1] =	stream.indirect_vreg.gather [hbm4b:s6+s2], $0x80, v19, vm0, $0xb8;
	[tilespmem:$0x10400] =	vst v63  }
0x2a6: {  	v18 =	vadd.s32 v3, v18;
	s23 =	simm.s32 $0x8880  }
0x2a7: {  	[tilespmem:s23], [sflag:$0x1] =	stream.indirect_vreg.gather [hbm4b:s6+s2], $0x80, v20, vm0, $0xb8;
	[tilespmem:$0x10400] =	vst v63  }
0x2a8: {  	s23 =	simm.s32 $0x8900  }
0x2a9: {  	[tilespmem:s23], [sflag:$0x1] =	stream.indirect_vreg.gather [hbm4b:s6+s2], $0x80, v48, vm0, $0xb8;
	[tilespmem:$0x10400] =	vst v63  }
0x2aa: {  	s23 =	simm.s32 $0x8980  }
0x2ab: {  	[tilespmem:s23], [sflag:$0x1] =	stream.indirect_vreg.gather [hbm4b:s6+s2], $0x80, v18, vm0, $0xb8;
	[tilespmem:$0x10400] =	vst v63  }
0x2ac: {  	v18 =	vld [tilespmem:$0x110];
	_ =	sdelay $0x4  }
0x2ad: {  	v19 =	vshll.u32 v18, $0x7  }
0x2ae: {  	v18 =	vand.u32 $0x7, v18;
	v19 =	vand.u32 $0xFFFFFC00, v19  }
0x2af: {  	v18 =	vor.u32 v18, v19  }
0x2b0: {  	v19 =	vperm.xlane v18, v2;
	_ =	sdelay $0x1  }
0x2b1: {  	v20 =	vperm.xlane v18, v4;
	v19 =	vadd.s32 v3, v19;
	_ =	sdelay $0x1  }
0x2b2: {  	v49 =	vperm.xlane v18, v5;
	v20 =	vadd.s32 v3, v20;
	_ =	sdelay $0x1  }
0x2b3: {  	s23 =	simm.s32 $0x8A00;
	v50 =	vperm.xlane v18, v6;
	v21 =	vadd.s32 v3, v49  }
0x2b4: {  	[tilespmem:s23], [sflag:$0x1] =	stream.indirect_vreg.gather [hbm4b:s6+s2], $0x80, v19, vm0, $0xb8;
	[tilespmem:$0x10400] =	vst v63  }
0x2b5: {  	v51 =	vperm.xlane v18, v7;
	v19 =	vadd.s32 v3, v50;
	s23 =	simm.s32 $0x8A80  }
0x2b6: {  	[tilespmem:s23], [sflag:$0x1] =	stream.indirect_vreg.gather [hbm4b:s6+s2], $0x80, v20, vm0, $0xb8;
	[tilespmem:$0x10400] =	vst v63  }
0x2b7: {  	v52 =	vperm.xlane v18, v8;
	v20 =	vadd.s32 v3, v51;
	s23 =	simm.s32 $0x8B00  }
0x2b8: {  	[tilespmem:s23], [sflag:$0x1] =	stream.indirect_vreg.gather [hbm4b:s6+s2], $0x80, v21, vm0, $0xb8;
	[tilespmem:$0x10400] =	vst v63  }
0x2b9: {  	v54 =	vperm.xlane v18, v9;
	v53 =	vadd.s32 v3, v52;
	s23 =	simm.s32 $0x8B80  }
0x2ba: {  	[tilespmem:s23], [sflag:$0x1] =	stream.indirect_vreg.gather [hbm4b:s6+s2], $0x80, v19, vm0, $0xb8;
	[tilespmem:$0x10400] =	vst v63  }
0x2bb: {  	v55 =	vperm.xlane v18, v1;
	v19 =	vadd.s32 v3, v54;
	s23 =	simm.s32 $0x8C00  }
0x2bc: {  	[tilespmem:s23], [sflag:$0x1] =	stream.indirect_vreg.gather [hbm4b:s6+s2], $0x80, v20, vm0, $0xb8;
	[tilespmem:$0x10400] =	vst v63  }
0x2bd: {  	v56 =	vperm.xlane v18, v10;
	v20 =	vadd.s32 v3, v55;
	s23 =	simm.s32 $0x8C80  }
0x2be: {  	[tilespmem:s23], [sflag:$0x1] =	stream.indirect_vreg.gather [hbm4b:s6+s2], $0x80, v53, vm0, $0xb8;
	[tilespmem:$0x10400] =	vst v63  }
0x2bf: {  	v58 =	vperm.xlane v18, v11;
	v57 =	vadd.s32 v3, v56;
	s23 =	simm.s32 $0x8D00  }
0x2c0: {  	[tilespmem:s23], [sflag:$0x1] =	stream.indirect_vreg.gather [hbm4b:s6+s2], $0x80, v19, vm0, $0xb8;
	[tilespmem:$0x10400] =	vst v63  }
0x2c1: {  	v59 =	vperm.xlane v18, v12;
	v19 =	vadd.s32 v3, v58;
	s23 =	simm.s32 $0x8D80  }
0x2c2: {  	[tilespmem:s23], [sflag:$0x1] =	stream.indirect_vreg.gather [hbm4b:s6+s2], $0x80, v20, vm0, $0xb8;
	[tilespmem:$0x10400] =	vst v63  }
0x2c3: {  	v60 =	vperm.xlane v18, v13;
	v20 =	vadd.s32 v3, v59;
	s23 =	simm.s32 $0x8E00  }
0x2c4: {  	[tilespmem:s23], [sflag:$0x1] =	stream.indirect_vreg.gather [hbm4b:s6+s2], $0x80, v57, vm0, $0xb8;
	[tilespmem:$0x10400] =	vst v63  }
0x2c5: {  	v62 =	vperm.xlane v18, v14;
	v61 =	vadd.s32 v3, v60;
	s23 =	simm.s32 $0x8E80  }
0x2c6: {  	[tilespmem:s23], [sflag:$0x1] =	stream.indirect_vreg.gather [hbm4b:s6+s2], $0x80, v19, vm0, $0xb8;
	[tilespmem:$0x10400] =	vst v63  }
0x2c7: {  	v63 =	vperm.xlane v18, v15;
	v19 =	vadd.s32 v3, v62;
	s23 =	simm.s32 $0x8F00  }
0x2c8: {  	[tilespmem:s23], [sflag:$0x1] =	stream.indirect_vreg.gather [hbm4b:s6+s2], $0x80, v20, vm0, $0xb8;
	[tilespmem:$0x10400] =	vst v63  }
0x2c9: {  	v24 =	vperm.xlane v18, v16;
	v20 =	vadd.s32 v3, v63;
	s23 =	simm.s32 $0x8F80  }
0x2ca: {  	[tilespmem:s23], [sflag:$0x1] =	stream.indirect_vreg.gather [hbm4b:s6+s2], $0x80, v61, vm0, $0xb8;
	[tilespmem:$0x10400] =	vst v63  }
0x2cb: {  	v18 =	vperm.xlane v18, v17;
	v25 =	vadd.s32 v3, v24;
	s23 =	simm.s32 $0x9000  }
0x2cc: {  	[tilespmem:s23], [sflag:$0x1] =	stream.indirect_vreg.gather [hbm4b:s6+s2], $0x80, v19, vm0, $0xb8;
	[tilespmem:$0x10400] =	vst v63  }
0x2cd: {  	v18 =	vadd.s32 v3, v18;
	s23 =	simm.s32 $0x9080  }
0x2ce: {  	[tilespmem:s23], [sflag:$0x1] =	stream.indirect_vreg.gather [hbm4b:s6+s2], $0x80, v20, vm0, $0xb8;
	[tilespmem:$0x10400] =	vst v63  }
0x2cf: {  	s23 =	simm.s32 $0x9100  }
0x2d0: {  	[tilespmem:s23], [sflag:$0x1] =	stream.indirect_vreg.gather [hbm4b:s6+s2], $0x80, v25, vm0, $0xb8;
	[tilespmem:$0x10400] =	vst v63  }
0x2d1: {  	s23 =	simm.s32 $0x9180  }
0x2d2: {  	[tilespmem:s23], [sflag:$0x1] =	stream.indirect_vreg.gather [hbm4b:s6+s2], $0x80, v18, vm0, $0xb8;
	[tilespmem:$0x10400] =	vst v63  }
0x2d3: {  	v18 =	vld [tilespmem:$0x120];
	_ =	sdelay $0x4  }
0x2d4: {  	v19 =	vshll.u32 v18, $0x7  }
0x2d5: {  	v18 =	vand.u32 $0x7, v18;
	v19 =	vand.u32 $0xFFFFFC00, v19  }
0x2d6: {  	v18 =	vor.u32 v18, v19  }
0x2d7: {  	v19 =	vperm.xlane v18, v2;
	_ =	sdelay $0x1  }
0x2d8: {  	v20 =	vperm.xlane v18, v4;
	v19 =	vadd.s32 v3, v19;
	_ =	sdelay $0x1  }
0x2d9: {  	v26 =	vperm.xlane v18, v5;
	v20 =	vadd.s32 v3, v20;
	_ =	sdelay $0x1  }
0x2da: {  	s23 =	simm.s32 $0x9200;
	v27 =	vperm.xlane v18, v6;
	v21 =	vadd.s32 v3, v26  }
0x2db: {  	[tilespmem:s23], [sflag:$0x1] =	stream.indirect_vreg.gather [hbm4b:s6+s2], $0x80, v19, vm0, $0xb8;
	[tilespmem:$0x10400] =	vst v63  }
0x2dc: {  	v28 =	vperm.xlane v18, v7;
	v19 =	vadd.s32 v3, v27;
	s23 =	simm.s32 $0x9280  }
0x2dd: {  	[tilespmem:s23], [sflag:$0x1] =	stream.indirect_vreg.gather [hbm4b:s6+s2], $0x80, v20, vm0, $0xb8;
	[tilespmem:$0x10400] =	vst v63  }
0x2de: {  	v29 =	vperm.xlane v18, v8;
	v20 =	vadd.s32 v3, v28;
	s23 =	simm.s32 $0x9300  }
0x2df: {  	[tilespmem:s23], [sflag:$0x1] =	stream.indirect_vreg.gather [hbm4b:s6+s2], $0x80, v21, vm0, $0xb8;
	[tilespmem:$0x10400] =	vst v63  }
0x2e0: {  	v31 =	vperm.xlane v18, v9;
	v30 =	vadd.s32 v3, v29;
	s23 =	simm.s32 $0x9380  }
0x2e1: {  	[tilespmem:s23], [sflag:$0x1] =	stream.indirect_vreg.gather [hbm4b:s6+s2], $0x80, v19, vm0, $0xb8;
	[tilespmem:$0x10400] =	vst v63  }
0x2e2: {  	v32 =	vperm.xlane v18, v1;
	v19 =	vadd.s32 v3, v31;
	s23 =	simm.s32 $0x9400  }
0x2e3: {  	[tilespmem:s23], [sflag:$0x1] =	stream.indirect_vreg.gather [hbm4b:s6+s2], $0x80, v20, vm0, $0xb8;
	[tilespmem:$0x10400] =	vst v63  }
0x2e4: {  	v33 =	vperm.xlane v18, v10;
	v20 =	vadd.s32 v3, v32;
	s23 =	simm.s32 $0x9480  }
0x2e5: {  	[tilespmem:s23], [sflag:$0x1] =	stream.indirect_vreg.gather [hbm4b:s6+s2], $0x80, v30, vm0, $0xb8;
	[tilespmem:$0x10400] =	vst v63  }
0x2e6: {  	v35 =	vperm.xlane v18, v11;
	v34 =	vadd.s32 v3, v33;
	s23 =	simm.s32 $0x9500  }
0x2e7: {  	[tilespmem:s23], [sflag:$0x1] =	stream.indirect_vreg.gather [hbm4b:s6+s2], $0x80, v19, vm0, $0xb8;
	[tilespmem:$0x10400] =	vst v63  }
0x2e8: {  	v36 =	vperm.xlane v18, v12;
	v19 =	vadd.s32 v3, v35;
	s23 =	simm.s32 $0x9580  }
0x2e9: {  	[tilespmem:s23], [sflag:$0x1] =	stream.indirect_vreg.gather [hbm4b:s6+s2], $0x80, v20, vm0, $0xb8;
	[tilespmem:$0x10400] =	vst v63  }
0x2ea: {  	v37 =	vperm.xlane v18, v13;
	v20 =	vadd.s32 v3, v36;
	s23 =	simm.s32 $0x9600  }
0x2eb: {  	[tilespmem:s23], [sflag:$0x1] =	stream.indirect_vreg.gather [hbm4b:s6+s2], $0x80, v34, vm0, $0xb8;
	[tilespmem:$0x10400] =	vst v63  }
0x2ec: {  	v39 =	vperm.xlane v18, v14;
	v38 =	vadd.s32 v3, v37;
	s23 =	simm.s32 $0x9680  }
0x2ed: {  	[tilespmem:s23], [sflag:$0x1] =	stream.indirect_vreg.gather [hbm4b:s6+s2], $0x80, v19, vm0, $0xb8;
	[tilespmem:$0x10400] =	vst v63  }
0x2ee: {  	v40 =	vperm.xlane v18, v15;
	v19 =	vadd.s32 v3, v39;
	s23 =	simm.s32 $0x9700  }
0x2ef: {  	[tilespmem:s23], [sflag:$0x1] =	stream.indirect_vreg.gather [hbm4b:s6+s2], $0x80, v20, vm0, $0xb8;
	[tilespmem:$0x10400] =	vst v63  }
0x2f0: {  	v41 =	vperm.xlane v18, v16;
	v20 =	vadd.s32 v3, v40;
	s23 =	simm.s32 $0x9780  }
0x2f1: {  	[tilespmem:s23], [sflag:$0x1] =	stream.indirect_vreg.gather [hbm4b:s6+s2], $0x80, v38, vm0, $0xb8;
	[tilespmem:$0x10400] =	vst v63  }
0x2f2: {  	v18 =	vperm.xlane v18, v17;
	v42 =	vadd.s32 v3, v41;
	s23 =	simm.s32 $0x9800  }
0x2f3: {  	[tilespmem:s23], [sflag:$0x1] =	stream.indirect_vreg.gather [hbm4b:s6+s2], $0x80, v19, vm0, $0xb8;
	[tilespmem:$0x10400] =	vst v63  }
0x2f4: {  	v18 =	vadd.s32 v3, v18;
	s23 =	simm.s32 $0x9880  }
0x2f5: {  	[tilespmem:s23], [sflag:$0x1] =	stream.indirect_vreg.gather [hbm4b:s6+s2], $0x80, v20, vm0, $0xb8;
	[tilespmem:$0x10400] =	vst v63  }
0x2f6: {  	s23 =	simm.s32 $0x9900  }
0x2f7: {  	[tilespmem:s23], [sflag:$0x1] =	stream.indirect_vreg.gather [hbm4b:s6+s2], $0x80, v42, vm0, $0xb8;
	[tilespmem:$0x10400] =	vst v63  }
0x2f8: {  	s23 =	simm.s32 $0x9980  }
0x2f9: {  	[tilespmem:s23], [sflag:$0x1] =	stream.indirect_vreg.gather [hbm4b:s6+s2], $0x80, v18, vm0, $0xb8;
	[tilespmem:$0x10400] =	vst v63  }
0x2fa: {  	v18 =	vld [tilespmem:$0x130];
	_ =	sdelay $0x4  }
0x2fb: {  	v19 =	vshll.u32 v18, $0x7  }
0x2fc: {  	v18 =	vand.u32 $0x7, v18;
	v19 =	vand.u32 $0xFFFFFC00, v19  }
0x2fd: {  	v18 =	vor.u32 v18, v19  }
0x2fe: {  	v19 =	vperm.xlane v18, v2;
	_ =	sdelay $0x1  }
0x2ff: {  	v20 =	vperm.xlane v18, v4;
	v19 =	vadd.s32 v3, v19;
	_ =	sdelay $0x1  }
0x300: {  	v43 =	vperm.xlane v18, v5;
	v20 =	vadd.s32 v3, v20;
	_ =	sdelay $0x1  }
0x301: {  	s23 =	simm.s32 $0x9A00;
	v44 =	vperm.xlane v18, v6;
	v21 =	vadd.s32 v3, v43  }
0x302: {  	[tilespmem:s23], [sflag:$0x1] =	stream.indirect_vreg.gather [hbm4b:s6+s2], $0x80, v19, vm0, $0xb8;
	[tilespmem:$0x10400] =	vst v63  }
0x303: {  	v45 =	vperm.xlane v18, v7;
	v19 =	vadd.s32 v3, v44;
	s23 =	simm.s32 $0x9A80  }
0x304: {  	[tilespmem:s23], [sflag:$0x1] =	stream.indirect_vreg.gather [hbm4b:s6+s2], $0x80, v20, vm0, $0xb8;
	[tilespmem:$0x10400] =	vst v63  }
0x305: {  	v46 =	vperm.xlane v18, v8;
	v20 =	vadd.s32 v3, v45;
	s23 =	simm.s32 $0x9B00  }
0x306: {  	[tilespmem:s23], [sflag:$0x1] =	stream.indirect_vreg.gather [hbm4b:s6+s2], $0x80, v21, vm0, $0xb8;
	[tilespmem:$0x10400] =	vst v63  }
0x307: {  	v48 =	vperm.xlane v18, v9;
	v47 =	vadd.s32 v3, v46;
	s23 =	simm.s32 $0x9B80  }
0x308: {  	[tilespmem:s23], [sflag:$0x1] =	stream.indirect_vreg.gather [hbm4b:s6+s2], $0x80, v19, vm0, $0xb8;
	[tilespmem:$0x10400] =	vst v63  }
0x309: {  	v49 =	vperm.xlane v18, v1;
	v19 =	vadd.s32 v3, v48;
	s23 =	simm.s32 $0x9C00  }
0x30a: {  	[tilespmem:s23], [sflag:$0x1] =	stream.indirect_vreg.gather [hbm4b:s6+s2], $0x80, v20, vm0, $0xb8;
	[tilespmem:$0x10400] =	vst v63  }
0x30b: {  	v50 =	vperm.xlane v18, v10;
	v20 =	vadd.s32 v3, v49;
	s23 =	simm.s32 $0x9C80  }
0x30c: {  	[tilespmem:s23], [sflag:$0x1] =	stream.indirect_vreg.gather [hbm4b:s6+s2], $0x80, v47, vm0, $0xb8;
	[tilespmem:$0x10400] =	vst v63  }
0x30d: {  	v52 =	vperm.xlane v18, v11;
	v51 =	vadd.s32 v3, v50;
	s23 =	simm.s32 $0x9D00  }
0x30e: {  	[tilespmem:s23], [sflag:$0x1] =	stream.indirect_vreg.gather [hbm4b:s6+s2], $0x80, v19, vm0, $0xb8;
	[tilespmem:$0x10400] =	vst v63  }
0x30f: {  	v53 =	vperm.xlane v18, v12;
	v19 =	vadd.s32 v3, v52;
	s23 =	simm.s32 $0x9D80  }
0x310: {  	[tilespmem:s23], [sflag:$0x1] =	stream.indirect_vreg.gather [hbm4b:s6+s2], $0x80, v20, vm0, $0xb8;
	[tilespmem:$0x10400] =	vst v63  }
0x311: {  	v54 =	vperm.xlane v18, v13;
	v20 =	vadd.s32 v3, v53;
	s23 =	simm.s32 $0x9E00  }
0x312: {  	[tilespmem:s23], [sflag:$0x1] =	stream.indirect_vreg.gather [hbm4b:s6+s2], $0x80, v51, vm0, $0xb8;
	[tilespmem:$0x10400] =	vst v63  }
0x313: {  	v56 =	vperm.xlane v18, v14;
	v55 =	vadd.s32 v3, v54;
	s23 =	simm.s32 $0x9E80  }
0x314: {  	[tilespmem:s23], [sflag:$0x1] =	stream.indirect_vreg.gather [hbm4b:s6+s2], $0x80, v19, vm0, $0xb8;
	[tilespmem:$0x10400] =	vst v63  }
0x315: {  	v57 =	vperm.xlane v18, v15;
	v19 =	vadd.s32 v3, v56;
	s23 =	simm.s32 $0x9F00  }
0x316: {  	[tilespmem:s23], [sflag:$0x1] =	stream.indirect_vreg.gather [hbm4b:s6+s2], $0x80, v20, vm0, $0xb8;
	[tilespmem:$0x10400] =	vst v63  }
0x317: {  	v58 =	vperm.xlane v18, v16;
	v20 =	vadd.s32 v3, v57;
	s23 =	simm.s32 $0x9F80  }
0x318: {  	[tilespmem:s23], [sflag:$0x1] =	stream.indirect_vreg.gather [hbm4b:s6+s2], $0x80, v55, vm0, $0xb8;
	[tilespmem:$0x10400] =	vst v63  }
0x319: {  	v18 =	vperm.xlane v18, v17;
	v59 =	vadd.s32 v3, v58;
	s23 =	simm.s32 $0xA000  }
0x31a: {  	[tilespmem:s23], [sflag:$0x1] =	stream.indirect_vreg.gather [hbm4b:s6+s2], $0x80, v19, vm0, $0xb8;
	[tilespmem:$0x10400] =	vst v63  }
0x31b: {  	v18 =	vadd.s32 v3, v18;
	s23 =	simm.s32 $0xA080  }
0x31c: {  	[tilespmem:s23], [sflag:$0x1] =	stream.indirect_vreg.gather [hbm4b:s6+s2], $0x80, v20, vm0, $0xb8;
	[tilespmem:$0x10400] =	vst v63  }
0x31d: {  	s23 =	simm.s32 $0xA100  }
0x31e: {  	[tilespmem:s23], [sflag:$0x1] =	stream.indirect_vreg.gather [hbm4b:s6+s2], $0x80, v59, vm0, $0xb8;
	[tilespmem:$0x10400] =	vst v63  }
0x31f: {  	s23 =	simm.s32 $0xA180  }
0x320: {  	[tilespmem:s23], [sflag:$0x1] =	stream.indirect_vreg.gather [hbm4b:s6+s2], $0x80, v18, vm0, $0xb8;
	[tilespmem:$0x10400] =	vst v63  }
0x321: {  	v18 =	vld [tilespmem:$0x140];
	_ =	sdelay $0x4  }
0x322: {  	v19 =	vshll.u32 v18, $0x7  }
0x323: {  	v18 =	vand.u32 $0x7, v18;
	v19 =	vand.u32 $0xFFFFFC00, v19  }
0x324: {  	v18 =	vor.u32 v18, v19  }
0x325: {  	v19 =	vperm.xlane v18, v2;
	_ =	sdelay $0x1  }
0x326: {  	v20 =	vperm.xlane v18, v4;
	v19 =	vadd.s32 v3, v19;
	_ =	sdelay $0x1  }
0x327: {  	v60 =	vperm.xlane v18, v5;
	v20 =	vadd.s32 v3, v20;
	_ =	sdelay $0x1  }
0x328: {  	s23 =	simm.s32 $0xA200;
	v61 =	vperm.xlane v18, v6;
	v21 =	vadd.s32 v3, v60  }
0x329: {  	[tilespmem:s23], [sflag:$0x1] =	stream.indirect_vreg.gather [hbm4b:s6+s2], $0x80, v19, vm0, $0xb8;
	[tilespmem:$0x10400] =	vst v63  }
0x32a: {  	v62 =	vperm.xlane v18, v7;
	v19 =	vadd.s32 v3, v61;
	s23 =	simm.s32 $0xA280  }
0x32b: {  	[tilespmem:s23], [sflag:$0x1] =	stream.indirect_vreg.gather [hbm4b:s6+s2], $0x80, v20, vm0, $0xb8;
	[tilespmem:$0x10400] =	vst v63  }
0x32c: {  	v63 =	vperm.xlane v18, v8;
	v20 =	vadd.s32 v3, v62;
	s23 =	simm.s32 $0xA300  }
0x32d: {  	[tilespmem:s23], [sflag:$0x1] =	stream.indirect_vreg.gather [hbm4b:s6+s2], $0x80, v21, vm0, $0xb8;
	[tilespmem:$0x10400] =	vst v63  }
0x32e: {  	v25 =	vperm.xlane v18, v9;
	v24 =	vadd.s32 v3, v63;
	s23 =	simm.s32 $0xA380  }
0x32f: {  	[tilespmem:s23], [sflag:$0x1] =	stream.indirect_vreg.gather [hbm4b:s6+s2], $0x80, v19, vm0, $0xb8;
	[tilespmem:$0x10400] =	vst v63  }
0x330: {  	v26 =	vperm.xlane v18, v1;
	v19 =	vadd.s32 v3, v25;
	s23 =	simm.s32 $0xA400  }
0x331: {  	[tilespmem:s23], [sflag:$0x1] =	stream.indirect_vreg.gather [hbm4b:s6+s2], $0x80, v20, vm0, $0xb8;
	[tilespmem:$0x10400] =	vst v63  }
0x332: {  	v27 =	vperm.xlane v18, v10;
	v20 =	vadd.s32 v3, v26;
	s23 =	simm.s32 $0xA480  }
0x333: {  	[tilespmem:s23], [sflag:$0x1] =	stream.indirect_vreg.gather [hbm4b:s6+s2], $0x80, v24, vm0, $0xb8;
	[tilespmem:$0x10400] =	vst v63  }
0x334: {  	v29 =	vperm.xlane v18, v11;
	v28 =	vadd.s32 v3, v27;
	s23 =	simm.s32 $0xA500  }
0x335: {  	[tilespmem:s23], [sflag:$0x1] =	stream.indirect_vreg.gather [hbm4b:s6+s2], $0x80, v19, vm0, $0xb8;
	[tilespmem:$0x10400] =	vst v63  }
0x336: {  	v30 =	vperm.xlane v18, v12;
	v19 =	vadd.s32 v3, v29;
	s23 =	simm.s32 $0xA580  }
0x337: {  	[tilespmem:s23], [sflag:$0x1] =	stream.indirect_vreg.gather [hbm4b:s6+s2], $0x80, v20, vm0, $0xb8;
	[tilespmem:$0x10400] =	vst v63  }
0x338: {  	v31 =	vperm.xlane v18, v13;
	v20 =	vadd.s32 v3, v30;
	s23 =	simm.s32 $0xA600  }
0x339: {  	[tilespmem:s23], [sflag:$0x1] =	stream.indirect_vreg.gather [hbm4b:s6+s2], $0x80, v28, vm0, $0xb8;
	[tilespmem:$0x10400] =	vst v63  }
0x33a: {  	v33 =	vperm.xlane v18, v14;
	v32 =	vadd.s32 v3, v31;
	s23 =	simm.s32 $0xA680  }
0x33b: {  	[tilespmem:s23], [sflag:$0x1] =	stream.indirect_vreg.gather [hbm4b:s6+s2], $0x80, v19, vm0, $0xb8;
	[tilespmem:$0x10400] =	vst v63  }
0x33c: {  	v34 =	vperm.xlane v18, v15;
	v19 =	vadd.s32 v3, v33;
	s23 =	simm.s32 $0xA700  }
0x33d: {  	[tilespmem:s23], [sflag:$0x1] =	stream.indirect_vreg.gather [hbm4b:s6+s2], $0x80, v20, vm0, $0xb8;
	[tilespmem:$0x10400] =	vst v63  }
0x33e: {  	v35 =	vperm.xlane v18, v16;
	v20 =	vadd.s32 v3, v34;
	s23 =	simm.s32 $0xA780  }
0x33f: {  	[tilespmem:s23], [sflag:$0x1] =	stream.indirect_vreg.gather [hbm4b:s6+s2], $0x80, v32, vm0, $0xb8;
	[tilespmem:$0x10400] =	vst v63  }
0x340: {  	v18 =	vperm.xlane v18, v17;
	v36 =	vadd.s32 v3, v35;
	s23 =	simm.s32 $0xA800  }
0x341: {  	[tilespmem:s23], [sflag:$0x1] =	stream.indirect_vreg.gather [hbm4b:s6+s2], $0x80, v19, vm0, $0xb8;
	[tilespmem:$0x10400] =	vst v63  }
0x342: {  	v18 =	vadd.s32 v3, v18;
	s23 =	simm.s32 $0xA880  }
0x343: {  	[tilespmem:s23], [sflag:$0x1] =	stream.indirect_vreg.gather [hbm4b:s6+s2], $0x80, v20, vm0, $0xb8;
	[tilespmem:$0x10400] =	vst v63  }
0x344: {  	s23 =	simm.s32 $0xA900  }
0x345: {  	[tilespmem:s23], [sflag:$0x1] =	stream.indirect_vreg.gather [hbm4b:s6+s2], $0x80, v36, vm0, $0xb8;
	[tilespmem:$0x10400] =	vst v63  }
0x346: {  	s23 =	simm.s32 $0xA980  }
0x347: {  	[tilespmem:s23], [sflag:$0x1] =	stream.indirect_vreg.gather [hbm4b:s6+s2], $0x80, v18, vm0, $0xb8;
	[tilespmem:$0x10400] =	vst v63  }
0x348: {  	v18 =	vld [tilespmem:$0x150];
	_ =	sdelay $0x4  }
0x349: {  	v19 =	vshll.u32 v18, $0x7  }
0x34a: {  	v18 =	vand.u32 $0x7, v18;
	v19 =	vand.u32 $0xFFFFFC00, v19  }
0x34b: {  	v18 =	vor.u32 v18, v19  }
0x34c: {  	v19 =	vperm.xlane v18, v2;
	_ =	sdelay $0x1  }
0x34d: {  	v20 =	vperm.xlane v18, v4;
	v19 =	vadd.s32 v3, v19;
	_ =	sdelay $0x1  }
0x34e: {  	v37 =	vperm.xlane v18, v5;
	v20 =	vadd.s32 v3, v20;
	_ =	sdelay $0x1  }
0x34f: {  	s23 =	simm.s32 $0xAA00;
	v38 =	vperm.xlane v18, v6;
	v21 =	vadd.s32 v3, v37  }
0x350: {  	[tilespmem:s23], [sflag:$0x1] =	stream.indirect_vreg.gather [hbm4b:s6+s2], $0x80, v19, vm0, $0xb8;
	[tilespmem:$0x10400] =	vst v63  }
0x351: {  	v39 =	vperm.xlane v18, v7;
	v19 =	vadd.s32 v3, v38;
	s23 =	simm.s32 $0xAA80  }
0x352: {  	[tilespmem:s23], [sflag:$0x1] =	stream.indirect_vreg.gather [hbm4b:s6+s2], $0x80, v20, vm0, $0xb8;
	[tilespmem:$0x10400] =	vst v63  }
0x353: {  	v40 =	vperm.xlane v18, v8;
	v20 =	vadd.s32 v3, v39;
	s23 =	simm.s32 $0xAB00  }
0x354: {  	[tilespmem:s23], [sflag:$0x1] =	stream.indirect_vreg.gather [hbm4b:s6+s2], $0x80, v21, vm0, $0xb8;
	[tilespmem:$0x10400] =	vst v63  }
0x355: {  	v42 =	vperm.xlane v18, v9;
	v41 =	vadd.s32 v3, v40;
	s23 =	simm.s32 $0xAB80  }
0x356: {  	[tilespmem:s23], [sflag:$0x1] =	stream.indirect_vreg.gather [hbm4b:s6+s2], $0x80, v19, vm0, $0xb8;
	[tilespmem:$0x10400] =	vst v63  }
0x357: {  	v43 =	vperm.xlane v18, v1;
	v19 =	vadd.s32 v3, v42;
	s23 =	simm.s32 $0xAC00  }
0x358: {  	[tilespmem:s23], [sflag:$0x1] =	stream.indirect_vreg.gather [hbm4b:s6+s2], $0x80, v20, vm0, $0xb8;
	[tilespmem:$0x10400] =	vst v63  }
0x359: {  	v44 =	vperm.xlane v18, v10;
	v20 =	vadd.s32 v3, v43;
	s23 =	simm.s32 $0xAC80  }
0x35a: {  	[tilespmem:s23], [sflag:$0x1] =	stream.indirect_vreg.gather [hbm4b:s6+s2], $0x80, v41, vm0, $0xb8;
	[tilespmem:$0x10400] =	vst v63  }
0x35b: {  	v46 =	vperm.xlane v18, v11;
	v45 =	vadd.s32 v3, v44;
	s23 =	simm.s32 $0xAD00  }
0x35c: {  	[tilespmem:s23], [sflag:$0x1] =	stream.indirect_vreg.gather [hbm4b:s6+s2], $0x80, v19, vm0, $0xb8;
	[tilespmem:$0x10400] =	vst v63  }
0x35d: {  	v47 =	vperm.xlane v18, v12;
	v19 =	vadd.s32 v3, v46;
	s23 =	simm.s32 $0xAD80  }
0x35e: {  	[tilespmem:s23], [sflag:$0x1] =	stream.indirect_vreg.gather [hbm4b:s6+s2], $0x80, v20, vm0, $0xb8;
	[tilespmem:$0x10400] =	vst v63  }
0x35f: {  	v48 =	vperm.xlane v18, v13;
	v20 =	vadd.s32 v3, v47;
	s23 =	simm.s32 $0xAE00  }
0x360: {  	[tilespmem:s23], [sflag:$0x1] =	stream.indirect_vreg.gather [hbm4b:s6+s2], $0x80, v45, vm0, $0xb8;
	[tilespmem:$0x10400] =	vst v63  }
0x361: {  	v50 =	vperm.xlane v18, v14;
	v49 =	vadd.s32 v3, v48;
	s23 =	simm.s32 $0xAE80  }
0x362: {  	[tilespmem:s23], [sflag:$0x1] =	stream.indirect_vreg.gather [hbm4b:s6+s2], $0x80, v19, vm0, $0xb8;
	[tilespmem:$0x10400] =	vst v63  }
0x363: {  	v51 =	vperm.xlane v18, v15;
	v19 =	vadd.s32 v3, v50;
	s23 =	simm.s32 $0xAF00  }
0x364: {  	[tilespmem:s23], [sflag:$0x1] =	stream.indirect_vreg.gather [hbm4b:s6+s2], $0x80, v20, vm0, $0xb8;
	[tilespmem:$0x10400] =	vst v63  }
0x365: {  	v52 =	vperm.xlane v18, v16;
	v20 =	vadd.s32 v3, v51;
	s23 =	simm.s32 $0xAF80  }
0x366: {  	[tilespmem:s23], [sflag:$0x1] =	stream.indirect_vreg.gather [hbm4b:s6+s2], $0x80, v49, vm0, $0xb8;
	[tilespmem:$0x10400] =	vst v63  }
0x367: {  	v18 =	vperm.xlane v18, v17;
	v53 =	vadd.s32 v3, v52;
	s23 =	simm.s32 $0xB000  }
0x368: {  	[tilespmem:s23], [sflag:$0x1] =	stream.indirect_vreg.gather [hbm4b:s6+s2], $0x80, v19, vm0, $0xb8;
	[tilespmem:$0x10400] =	vst v63  }
0x369: {  	v18 =	vadd.s32 v3, v18;
	s23 =	simm.s32 $0xB080  }
0x36a: {  	[tilespmem:s23], [sflag:$0x1] =	stream.indirect_vreg.gather [hbm4b:s6+s2], $0x80, v20, vm0, $0xb8;
	[tilespmem:$0x10400] =	vst v63  }
0x36b: {  	s23 =	simm.s32 $0xB100  }
0x36c: {  	[tilespmem:s23], [sflag:$0x1] =	stream.indirect_vreg.gather [hbm4b:s6+s2], $0x80, v53, vm0, $0xb8;
	[tilespmem:$0x10400] =	vst v63  }
0x36d: {  	s23 =	simm.s32 $0xB180  }
0x36e: {  	[tilespmem:s23], [sflag:$0x1] =	stream.indirect_vreg.gather [hbm4b:s6+s2], $0x80, v18, vm0, $0xb8;
	[tilespmem:$0x10400] =	vst v63  }
0x36f: {  	v18 =	vld [tilespmem:$0x160];
	_ =	sdelay $0x4  }
0x370: {  	v19 =	vshll.u32 v18, $0x7  }
0x371: {  	v18 =	vand.u32 $0x7, v18;
	v19 =	vand.u32 $0xFFFFFC00, v19  }
0x372: {  	v18 =	vor.u32 v18, v19  }
0x373: {  	v19 =	vperm.xlane v18, v2;
	_ =	sdelay $0x1  }
0x374: {  	v20 =	vperm.xlane v18, v4;
	v19 =	vadd.s32 v3, v19;
	_ =	sdelay $0x1  }
0x375: {  	v54 =	vperm.xlane v18, v5;
	v20 =	vadd.s32 v3, v20;
	_ =	sdelay $0x1  }
0x376: {  	s23 =	simm.s32 $0xB200;
	v55 =	vperm.xlane v18, v6;
	v21 =	vadd.s32 v3, v54  }
0x377: {  	[tilespmem:s23], [sflag:$0x1] =	stream.indirect_vreg.gather [hbm4b:s6+s2], $0x80, v19, vm0, $0xb8;
	[tilespmem:$0x10400] =	vst v63  }
0x378: {  	v56 =	vperm.xlane v18, v7;
	v19 =	vadd.s32 v3, v55;
	s23 =	simm.s32 $0xB280  }
0x379: {  	[tilespmem:s23], [sflag:$0x1] =	stream.indirect_vreg.gather [hbm4b:s6+s2], $0x80, v20, vm0, $0xb8;
	[tilespmem:$0x10400] =	vst v63  }
0x37a: {  	v57 =	vperm.xlane v18, v8;
	v20 =	vadd.s32 v3, v56;
	s23 =	simm.s32 $0xB300  }
0x37b: {  	[tilespmem:s23], [sflag:$0x1] =	stream.indirect_vreg.gather [hbm4b:s6+s2], $0x80, v21, vm0, $0xb8;
	[tilespmem:$0x10400] =	vst v63  }
0x37c: {  	v59 =	vperm.xlane v18, v9;
	v58 =	vadd.s32 v3, v57;
	s23 =	simm.s32 $0xB380  }
0x37d: {  	[tilespmem:s23], [sflag:$0x1] =	stream.indirect_vreg.gather [hbm4b:s6+s2], $0x80, v19, vm0, $0xb8;
	[tilespmem:$0x10400] =	vst v63  }
0x37e: {  	v60 =	vperm.xlane v18, v1;
	v19 =	vadd.s32 v3, v59;
	s23 =	simm.s32 $0xB400  }
0x37f: {  	[tilespmem:s23], [sflag:$0x1] =	stream.indirect_vreg.gather [hbm4b:s6+s2], $0x80, v20, vm0, $0xb8;
	[tilespmem:$0x10400] =	vst v63  }
0x380: {  	v61 =	vperm.xlane v18, v10;
	v20 =	vadd.s32 v3, v60;
	s23 =	simm.s32 $0xB480  }
0x381: {  	[tilespmem:s23], [sflag:$0x1] =	stream.indirect_vreg.gather [hbm4b:s6+s2], $0x80, v58, vm0, $0xb8;
	[tilespmem:$0x10400] =	vst v63  }
0x382: {  	v63 =	vperm.xlane v18, v11;
	v62 =	vadd.s32 v3, v61;
	s23 =	simm.s32 $0xB500  }
0x383: {  	[tilespmem:s23], [sflag:$0x1] =	stream.indirect_vreg.gather [hbm4b:s6+s2], $0x80, v19, vm0, $0xb8;
	[tilespmem:$0x10400] =	vst v63  }
0x384: {  	v24 =	vperm.xlane v18, v12;
	v19 =	vadd.s32 v3, v63;
	s23 =	simm.s32 $0xB580  }
0x385: {  	[tilespmem:s23], [sflag:$0x1] =	stream.indirect_vreg.gather [hbm4b:s6+s2], $0x80, v20, vm0, $0xb8;
	[tilespmem:$0x10400] =	vst v63  }
0x386: {  	v25 =	vperm.xlane v18, v13;
	v20 =	vadd.s32 v3, v24;
	s23 =	simm.s32 $0xB600  }
0x387: {  	[tilespmem:s23], [sflag:$0x1] =	stream.indirect_vreg.gather [hbm4b:s6+s2], $0x80, v62, vm0, $0xb8;
	[tilespmem:$0x10400] =	vst v63  }
0x388: {  	v27 =	vperm.xlane v18, v14;
	v26 =	vadd.s32 v3, v25;
	s23 =	simm.s32 $0xB680  }
0x389: {  	[tilespmem:s23], [sflag:$0x1] =	stream.indirect_vreg.gather [hbm4b:s6+s2], $0x80, v19, vm0, $0xb8;
	[tilespmem:$0x10400] =	vst v63  }
0x38a: {  	v28 =	vperm.xlane v18, v15;
	v19 =	vadd.s32 v3, v27;
	s23 =	simm.s32 $0xB700  }
0x38b: {  	[tilespmem:s23], [sflag:$0x1] =	stream.indirect_vreg.gather [hbm4b:s6+s2], $0x80, v20, vm0, $0xb8;
	[tilespmem:$0x10400] =	vst v63  }
0x38c: {  	v29 =	vperm.xlane v18, v16;
	v20 =	vadd.s32 v3, v28;
	s23 =	simm.s32 $0xB780  }
0x38d: {  	[tilespmem:s23], [sflag:$0x1] =	stream.indirect_vreg.gather [hbm4b:s6+s2], $0x80, v26, vm0, $0xb8;
	[tilespmem:$0x10400] =	vst v63  }
0x38e: {  	v18 =	vperm.xlane v18, v17;
	v30 =	vadd.s32 v3, v29;
	s23 =	simm.s32 $0xB800  }
0x38f: {  	[tilespmem:s23], [sflag:$0x1] =	stream.indirect_vreg.gather [hbm4b:s6+s2], $0x80, v19, vm0, $0xb8;
	[tilespmem:$0x10400] =	vst v63  }
0x390: {  	v18 =	vadd.s32 v3, v18;
	s23 =	simm.s32 $0xB880  }
0x391: {  	[tilespmem:s23], [sflag:$0x1] =	stream.indirect_vreg.gather [hbm4b:s6+s2], $0x80, v20, vm0, $0xb8;
	[tilespmem:$0x10400] =	vst v63  }
0x392: {  	s23 =	simm.s32 $0xB900  }
0x393: {  	[tilespmem:s23], [sflag:$0x1] =	stream.indirect_vreg.gather [hbm4b:s6+s2], $0x80, v30, vm0, $0xb8;
	[tilespmem:$0x10400] =	vst v63  }
0x394: {  	s23 =	simm.s32 $0xB980  }
0x395: {  	[tilespmem:s23], [sflag:$0x1] =	stream.indirect_vreg.gather [hbm4b:s6+s2], $0x80, v18, vm0, $0xb8;
	[tilespmem:$0x10400] =	vst v63  }
0x396: {  	v18 =	vld [tilespmem:$0x170];
	_ =	sdelay $0x4  }
0x397: {  	v19 =	vshll.u32 v18, $0x7  }
0x398: {  	v18 =	vand.u32 $0x7, v18;
	v19 =	vand.u32 $0xFFFFFC00, v19  }
0x399: {  	v18 =	vor.u32 v18, v19  }
0x39a: {  	v19 =	vperm.xlane v18, v2;
	_ =	sdelay $0x1  }
0x39b: {  	v20 =	vperm.xlane v18, v4;
	v19 =	vadd.s32 v3, v19;
	_ =	sdelay $0x1  }
0x39c: {  	v31 =	vperm.xlane v18, v5;
	v20 =	vadd.s32 v3, v20;
	_ =	sdelay $0x1  }
0x39d: {  	s23 =	simm.s32 $0xBA00;
	v32 =	vperm.xlane v18, v6;
	v21 =	vadd.s32 v3, v31  }
0x39e: {  	[tilespmem:s23], [sflag:$0x1] =	stream.indirect_vreg.gather [hbm4b:s6+s2], $0x80, v19, vm0, $0xb8;
	[tilespmem:$0x10400] =	vst v63  }
0x39f: {  	v33 =	vperm.xlane v18, v7;
	v19 =	vadd.s32 v3, v32;
	s23 =	simm.s32 $0xBA80  }
0x3a0: {  	[tilespmem:s23], [sflag:$0x1] =	stream.indirect_vreg.gather [hbm4b:s6+s2], $0x80, v20, vm0, $0xb8;
	[tilespmem:$0x10400] =	vst v63  }
0x3a1: {  	v34 =	vperm.xlane v18, v8;
	v20 =	vadd.s32 v3, v33;
	s23 =	simm.s32 $0xBB00  }
0x3a2: {  	[tilespmem:s23], [sflag:$0x1] =	stream.indirect_vreg.gather [hbm4b:s6+s2], $0x80, v21, vm0, $0xb8;
	[tilespmem:$0x10400] =	vst v63  }
0x3a3: {  	v36 =	vperm.xlane v18, v9;
	v35 =	vadd.s32 v3, v34;
	s23 =	simm.s32 $0xBB80  }
0x3a4: {  	[tilespmem:s23], [sflag:$0x1] =	stream.indirect_vreg.gather [hbm4b:s6+s2], $0x80, v19, vm0, $0xb8;
	[tilespmem:$0x10400] =	vst v63  }
0x3a5: {  	v37 =	vperm.xlane v18, v1;
	v19 =	vadd.s32 v3, v36;
	s23 =	simm.s32 $0xBC00  }
0x3a6: {  	[tilespmem:s23], [sflag:$0x1] =	stream.indirect_vreg.gather [hbm4b:s6+s2], $0x80, v20, vm0, $0xb8;
	[tilespmem:$0x10400] =	vst v63  }
0x3a7: {  	v38 =	vperm.xlane v18, v10;
	v20 =	vadd.s32 v3, v37;
	s23 =	simm.s32 $0xBC80  }
0x3a8: {  	[tilespmem:s23], [sflag:$0x1] =	stream.indirect_vreg.gather [hbm4b:s6+s2], $0x80, v35, vm0, $0xb8;
	[tilespmem:$0x10400] =	vst v63  }
0x3a9: {  	v40 =	vperm.xlane v18, v11;
	v39 =	vadd.s32 v3, v38;
	s23 =	simm.s32 $0xBD00  }
0x3aa: {  	[tilespmem:s23], [sflag:$0x1] =	stream.indirect_vreg.gather [hbm4b:s6+s2], $0x80, v19, vm0, $0xb8;
	[tilespmem:$0x10400] =	vst v63  }
0x3ab: {  	v41 =	vperm.xlane v18, v12;
	v19 =	vadd.s32 v3, v40;
	s23 =	simm.s32 $0xBD80  }
0x3ac: {  	[tilespmem:s23], [sflag:$0x1] =	stream.indirect_vreg.gather [hbm4b:s6+s2], $0x80, v20, vm0, $0xb8;
	[tilespmem:$0x10400] =	vst v63  }
0x3ad: {  	v42 =	vperm.xlane v18, v13;
	v20 =	vadd.s32 v3, v41;
	s23 =	simm.s32 $0xBE00  }
0x3ae: {  	[tilespmem:s23], [sflag:$0x1] =	stream.indirect_vreg.gather [hbm4b:s6+s2], $0x80, v39, vm0, $0xb8;
	[tilespmem:$0x10400] =	vst v63  }
0x3af: {  	v44 =	vperm.xlane v18, v14;
	v43 =	vadd.s32 v3, v42;
	s23 =	simm.s32 $0xBE80  }
0x3b0: {  	[tilespmem:s23], [sflag:$0x1] =	stream.indirect_vreg.gather [hbm4b:s6+s2], $0x80, v19, vm0, $0xb8;
	[tilespmem:$0x10400] =	vst v63  }
0x3b1: {  	v45 =	vperm.xlane v18, v15;
	v19 =	vadd.s32 v3, v44;
	s23 =	simm.s32 $0xBF00  }
0x3b2: {  	[tilespmem:s23], [sflag:$0x1] =	stream.indirect_vreg.gather [hbm4b:s6+s2], $0x80, v20, vm0, $0xb8;
	[tilespmem:$0x10400] =	vst v63  }
0x3b3: {  	v46 =	vperm.xlane v18, v16;
	v20 =	vadd.s32 v3, v45;
	s23 =	simm.s32 $0xBF80  }
0x3b4: {  	[tilespmem:s23], [sflag:$0x1] =	stream.indirect_vreg.gather [hbm4b:s6+s2], $0x80, v43, vm0, $0xb8;
	[tilespmem:$0x10400] =	vst v63  }
0x3b5: {  	v18 =	vperm.xlane v18, v17;
	v47 =	vadd.s32 v3, v46;
	s23 =	simm.s32 $0xC000  }
0x3b6: {  	[tilespmem:s23], [sflag:$0x1] =	stream.indirect_vreg.gather [hbm4b:s6+s2], $0x80, v19, vm0, $0xb8;
	[tilespmem:$0x10400] =	vst v63  }
0x3b7: {  	v18 =	vadd.s32 v3, v18;
	s23 =	simm.s32 $0xC080  }
0x3b8: {  	[tilespmem:s23], [sflag:$0x1] =	stream.indirect_vreg.gather [hbm4b:s6+s2], $0x80, v20, vm0, $0xb8;
	[tilespmem:$0x10400] =	vst v63  }
0x3b9: {  	s23 =	simm.s32 $0xC100  }
0x3ba: {  	[tilespmem:s23], [sflag:$0x1] =	stream.indirect_vreg.gather [hbm4b:s6+s2], $0x80, v47, vm0, $0xb8;
	[tilespmem:$0x10400] =	vst v63  }
0x3bb: {  	s23 =	simm.s32 $0xC180  }
0x3bc: {  	[tilespmem:s23], [sflag:$0x1] =	stream.indirect_vreg.gather [hbm4b:s6+s2], $0x80, v18, vm0, $0xb8;
	[tilespmem:$0x10400] =	vst v63  }
0x3bd: {  	v18 =	vld [tilespmem:$0x180];
	_ =	sdelay $0x4  }
0x3be: {  	v19 =	vshll.u32 v18, $0x7  }
0x3bf: {  	v18 =	vand.u32 $0x7, v18;
	v19 =	vand.u32 $0xFFFFFC00, v19  }
0x3c0: {  	v18 =	vor.u32 v18, v19  }
0x3c1: {  	v19 =	vperm.xlane v18, v2;
	_ =	sdelay $0x1  }
0x3c2: {  	v20 =	vperm.xlane v18, v4;
	v19 =	vadd.s32 v3, v19;
	_ =	sdelay $0x1  }
0x3c3: {  	v48 =	vperm.xlane v18, v5;
	v20 =	vadd.s32 v3, v20;
	_ =	sdelay $0x1  }
0x3c4: {  	s23 =	simm.s32 $0xC200;
	v49 =	vperm.xlane v18, v6;
	v21 =	vadd.s32 v3, v48  }
0x3c5: {  	[tilespmem:s23], [sflag:$0x1] =	stream.indirect_vreg.gather [hbm4b:s7+s2], $0x80, v19, vm0, $0xb8;
	[tilespmem:$0x10400] =	vst v63  }
0x3c6: {  	v50 =	vperm.xlane v18, v7;
	v19 =	vadd.s32 v3, v49;
	s23 =	simm.s32 $0xC280  }
0x3c7: {  	[tilespmem:s23], [sflag:$0x1] =	stream.indirect_vreg.gather [hbm4b:s7+s2], $0x80, v20, vm0, $0xb8;
	[tilespmem:$0x10400] =	vst v63  }
0x3c8: {  	v51 =	vperm.xlane v18, v8;
	v20 =	vadd.s32 v3, v50;
	s23 =	simm.s32 $0xC300  }
0x3c9: {  	[tilespmem:s23], [sflag:$0x1] =	stream.indirect_vreg.gather [hbm4b:s7+s2], $0x80, v21, vm0, $0xb8;
	[tilespmem:$0x10400] =	vst v63  }
0x3ca: {  	v53 =	vperm.xlane v18, v9;
	v52 =	vadd.s32 v3, v51;
	s23 =	simm.s32 $0xC380  }
0x3cb: {  	[tilespmem:s23], [sflag:$0x1] =	stream.indirect_vreg.gather [hbm4b:s7+s2], $0x80, v19, vm0, $0xb8;
	[tilespmem:$0x10400] =	vst v63  }
0x3cc: {  	v54 =	vperm.xlane v18, v1;
	v19 =	vadd.s32 v3, v53;
	s23 =	simm.s32 $0xC400  }
0x3cd: {  	[tilespmem:s23], [sflag:$0x1] =	stream.indirect_vreg.gather [hbm4b:s7+s2], $0x80, v20, vm0, $0xb8;
	[tilespmem:$0x10400] =	vst v63  }
0x3ce: {  	v55 =	vperm.xlane v18, v10;
	v20 =	vadd.s32 v3, v54;
	s23 =	simm.s32 $0xC480  }
0x3cf: {  	[tilespmem:s23], [sflag:$0x1] =	stream.indirect_vreg.gather [hbm4b:s7+s2], $0x80, v52, vm0, $0xb8;
	[tilespmem:$0x10400] =	vst v63  }
0x3d0: {  	v57 =	vperm.xlane v18, v11;
	v56 =	vadd.s32 v3, v55;
	s23 =	simm.s32 $0xC500  }
0x3d1: {  	[tilespmem:s23], [sflag:$0x1] =	stream.indirect_vreg.gather [hbm4b:s7+s2], $0x80, v19, vm0, $0xb8;
	[tilespmem:$0x10400] =	vst v63  }
0x3d2: {  	v58 =	vperm.xlane v18, v12;
	v19 =	vadd.s32 v3, v57;
	s23 =	simm.s32 $0xC580  }
0x3d3: {  	[tilespmem:s23], [sflag:$0x1] =	stream.indirect_vreg.gather [hbm4b:s7+s2], $0x80, v20, vm0, $0xb8;
	[tilespmem:$0x10400] =	vst v63  }
0x3d4: {  	v59 =	vperm.xlane v18, v13;
	v20 =	vadd.s32 v3, v58;
	s23 =	simm.s32 $0xC600  }
0x3d5: {  	[tilespmem:s23], [sflag:$0x1] =	stream.indirect_vreg.gather [hbm4b:s7+s2], $0x80, v56, vm0, $0xb8;
	[tilespmem:$0x10400] =	vst v63  }
0x3d6: {  	v61 =	vperm.xlane v18, v14;
	v60 =	vadd.s32 v3, v59;
	s23 =	simm.s32 $0xC680  }
0x3d7: {  	[tilespmem:s23], [sflag:$0x1] =	stream.indirect_vreg.gather [hbm4b:s7+s2], $0x80, v19, vm0, $0xb8;
	[tilespmem:$0x10400] =	vst v63  }
0x3d8: {  	v62 =	vperm.xlane v18, v15;
	v19 =	vadd.s32 v3, v61;
	s23 =	simm.s32 $0xC700  }
0x3d9: {  	[tilespmem:s23], [sflag:$0x1] =	stream.indirect_vreg.gather [hbm4b:s7+s2], $0x80, v20, vm0, $0xb8;
	[tilespmem:$0x10400] =	vst v63  }
0x3da: {  	v63 =	vperm.xlane v18, v16;
	v20 =	vadd.s32 v3, v62;
	s23 =	simm.s32 $0xC780  }
0x3db: {  	[tilespmem:s23], [sflag:$0x1] =	stream.indirect_vreg.gather [hbm4b:s7+s2], $0x80, v60, vm0, $0xb8;
	[tilespmem:$0x10400] =	vst v63  }
0x3dc: {  	v18 =	vperm.xlane v18, v17;
	v24 =	vadd.s32 v3, v63;
	s23 =	simm.s32 $0xC800  }
0x3dd: {  	[tilespmem:s23], [sflag:$0x1] =	stream.indirect_vreg.gather [hbm4b:s7+s2], $0x80, v19, vm0, $0xb8;
	[tilespmem:$0x10400] =	vst v63  }
0x3de: {  	v18 =	vadd.s32 v3, v18;
	s23 =	simm.s32 $0xC880  }
0x3df: {  	[tilespmem:s23], [sflag:$0x1] =	stream.indirect_vreg.gather [hbm4b:s7+s2], $0x80, v20, vm0, $0xb8;
	[tilespmem:$0x10400] =	vst v63  }
0x3e0: {  	s23 =	simm.s32 $0xC900  }
0x3e1: {  	[tilespmem:s23], [sflag:$0x1] =	stream.indirect_vreg.gather [hbm4b:s7+s2], $0x80, v24, vm0, $0xb8;
	[tilespmem:$0x10400] =	vst v63  }
0x3e2: {  	s23 =	simm.s32 $0xC980  }
0x3e3: {  	[tilespmem:s23], [sflag:$0x1] =	stream.indirect_vreg.gather [hbm4b:s7+s2], $0x80, v18, vm0, $0xb8;
	[tilespmem:$0x10400] =	vst v63  }
0x3e4: {  	v18 =	vld [tilespmem:$0x190];
	_ =	sdelay $0x4  }
0x3e5: {  	v19 =	vshll.u32 v18, $0x7  }
0x3e6: {  	v18 =	vand.u32 $0x7, v18;
	v19 =	vand.u32 $0xFFFFFC00, v19  }
0x3e7: {  	v18 =	vor.u32 v18, v19  }
0x3e8: {  	v19 =	vperm.xlane v18, v2;
	_ =	sdelay $0x1  }
0x3e9: {  	v20 =	vperm.xlane v18, v4;
	v19 =	vadd.s32 v3, v19;
	_ =	sdelay $0x1  }
0x3ea: {  	v25 =	vperm.xlane v18, v5;
	v20 =	vadd.s32 v3, v20;
	_ =	sdelay $0x1  }
0x3eb: {  	s23 =	simm.s32 $0xCA00;
	v26 =	vperm.xlane v18, v6;
	v21 =	vadd.s32 v3, v25  }
0x3ec: {  	[tilespmem:s23], [sflag:$0x1] =	stream.indirect_vreg.gather [hbm4b:s7+s2], $0x80, v19, vm0, $0xb8;
	[tilespmem:$0x10400] =	vst v63  }
0x3ed: {  	v27 =	vperm.xlane v18, v7;
	v19 =	vadd.s32 v3, v26;
	s23 =	simm.s32 $0xCA80  }
0x3ee: {  	[tilespmem:s23], [sflag:$0x1] =	stream.indirect_vreg.gather [hbm4b:s7+s2], $0x80, v20, vm0, $0xb8;
	[tilespmem:$0x10400] =	vst v63  }
0x3ef: {  	v28 =	vperm.xlane v18, v8;
	v20 =	vadd.s32 v3, v27;
	s23 =	simm.s32 $0xCB00  }
0x3f0: {  	[tilespmem:s23], [sflag:$0x1] =	stream.indirect_vreg.gather [hbm4b:s7+s2], $0x80, v21, vm0, $0xb8;
	[tilespmem:$0x10400] =	vst v63  }
0x3f1: {  	v30 =	vperm.xlane v18, v9;
	v29 =	vadd.s32 v3, v28;
	s23 =	simm.s32 $0xCB80  }
0x3f2: {  	[tilespmem:s23], [sflag:$0x1] =	stream.indirect_vreg.gather [hbm4b:s7+s2], $0x80, v19, vm0, $0xb8;
	[tilespmem:$0x10400] =	vst v63  }
0x3f3: {  	v31 =	vperm.xlane v18, v1;
	v19 =	vadd.s32 v3, v30;
	s23 =	simm.s32 $0xCC00  }
0x3f4: {  	[tilespmem:s23], [sflag:$0x1] =	stream.indirect_vreg.gather [hbm4b:s7+s2], $0x80, v20, vm0, $0xb8;
	[tilespmem:$0x10400] =	vst v63  }
0x3f5: {  	v32 =	vperm.xlane v18, v10;
	v20 =	vadd.s32 v3, v31;
	s23 =	simm.s32 $0xCC80  }
0x3f6: {  	[tilespmem:s23], [sflag:$0x1] =	stream.indirect_vreg.gather [hbm4b:s7+s2], $0x80, v29, vm0, $0xb8;
	[tilespmem:$0x10400] =	vst v63  }
0x3f7: {  	v34 =	vperm.xlane v18, v11;
	v33 =	vadd.s32 v3, v32;
	s23 =	simm.s32 $0xCD00  }
0x3f8: {  	[tilespmem:s23], [sflag:$0x1] =	stream.indirect_vreg.gather [hbm4b:s7+s2], $0x80, v19, vm0, $0xb8;
	[tilespmem:$0x10400] =	vst v63  }
0x3f9: {  	v35 =	vperm.xlane v18, v12;
	v19 =	vadd.s32 v3, v34;
	s23 =	simm.s32 $0xCD80  }
0x3fa: {  	[tilespmem:s23], [sflag:$0x1] =	stream.indirect_vreg.gather [hbm4b:s7+s2], $0x80, v20, vm0, $0xb8;
	[tilespmem:$0x10400] =	vst v63  }
0x3fb: {  	v36 =	vperm.xlane v18, v13;
	v20 =	vadd.s32 v3, v35;
	s23 =	simm.s32 $0xCE00  }
0x3fc: {  	[tilespmem:s23], [sflag:$0x1] =	stream.indirect_vreg.gather [hbm4b:s7+s2], $0x80, v33, vm0, $0xb8;
	[tilespmem:$0x10400] =	vst v63  }
0x3fd: {  	v38 =	vperm.xlane v18, v14;
	v37 =	vadd.s32 v3, v36;
	s23 =	simm.s32 $0xCE80  }
0x3fe: {  	[tilespmem:s23], [sflag:$0x1] =	stream.indirect_vreg.gather [hbm4b:s7+s2], $0x80, v19, vm0, $0xb8;
	[tilespmem:$0x10400] =	vst v63  }
0x3ff: {  	v39 =	vperm.xlane v18, v15;
	v19 =	vadd.s32 v3, v38;
	s23 =	simm.s32 $0xCF00  }
0x400: {  	[tilespmem:s23], [sflag:$0x1] =	stream.indirect_vreg.gather [hbm4b:s7+s2], $0x80, v20, vm0, $0xb8;
	[tilespmem:$0x10400] =	vst v63  }
0x401: {  	v40 =	vperm.xlane v18, v16;
	v20 =	vadd.s32 v3, v39;
	s23 =	simm.s32 $0xCF80  }
0x402: {  	[tilespmem:s23], [sflag:$0x1] =	stream.indirect_vreg.gather [hbm4b:s7+s2], $0x80, v37, vm0, $0xb8;
	[tilespmem:$0x10400] =	vst v63  }
0x403: {  	v18 =	vperm.xlane v18, v17;
	v41 =	vadd.s32 v3, v40;
	s23 =	simm.s32 $0xD000  }
0x404: {  	[tilespmem:s23], [sflag:$0x1] =	stream.indirect_vreg.gather [hbm4b:s7+s2], $0x80, v19, vm0, $0xb8;
	[tilespmem:$0x10400] =	vst v63  }
0x405: {  	v18 =	vadd.s32 v3, v18;
	s23 =	simm.s32 $0xD080  }
0x406: {  	[tilespmem:s23], [sflag:$0x1] =	stream.indirect_vreg.gather [hbm4b:s7+s2], $0x80, v20, vm0, $0xb8;
	[tilespmem:$0x10400] =	vst v63  }
0x407: {  	s23 =	simm.s32 $0xD100  }
0x408: {  	[tilespmem:s23], [sflag:$0x1] =	stream.indirect_vreg.gather [hbm4b:s7+s2], $0x80, v41, vm0, $0xb8;
	[tilespmem:$0x10400] =	vst v63  }
0x409: {  	s23 =	simm.s32 $0xD180  }
0x40a: {  	[tilespmem:s23], [sflag:$0x1] =	stream.indirect_vreg.gather [hbm4b:s7+s2], $0x80, v18, vm0, $0xb8;
	[tilespmem:$0x10400] =	vst v63  }
0x40b: {  	v18 =	vld [tilespmem:$0x1A0];
	_ =	sdelay $0x4  }
0x40c: {  	v19 =	vshll.u32 v18, $0x7  }
0x40d: {  	v18 =	vand.u32 $0x7, v18;
	v19 =	vand.u32 $0xFFFFFC00, v19  }
0x40e: {  	v18 =	vor.u32 v18, v19  }
0x40f: {  	v19 =	vperm.xlane v18, v2;
	_ =	sdelay $0x1  }
0x410: {  	v20 =	vperm.xlane v18, v4;
	v19 =	vadd.s32 v3, v19;
	_ =	sdelay $0x1  }
0x411: {  	v42 =	vperm.xlane v18, v5;
	v20 =	vadd.s32 v3, v20;
	_ =	sdelay $0x1  }
0x412: {  	s23 =	simm.s32 $0xD200;
	v43 =	vperm.xlane v18, v6;
	v21 =	vadd.s32 v3, v42  }
0x413: {  	[tilespmem:s23], [sflag:$0x1] =	stream.indirect_vreg.gather [hbm4b:s7+s2], $0x80, v19, vm0, $0xb8;
	[tilespmem:$0x10400] =	vst v63  }
0x414: {  	v44 =	vperm.xlane v18, v7;
	v19 =	vadd.s32 v3, v43;
	s23 =	simm.s32 $0xD280  }
0x415: {  	[tilespmem:s23], [sflag:$0x1] =	stream.indirect_vreg.gather [hbm4b:s7+s2], $0x80, v20, vm0, $0xb8;
	[tilespmem:$0x10400] =	vst v63  }
0x416: {  	v45 =	vperm.xlane v18, v8;
	v20 =	vadd.s32 v3, v44;
	s23 =	simm.s32 $0xD300  }
0x417: {  	[tilespmem:s23], [sflag:$0x1] =	stream.indirect_vreg.gather [hbm4b:s7+s2], $0x80, v21, vm0, $0xb8;
	[tilespmem:$0x10400] =	vst v63  }
0x418: {  	v47 =	vperm.xlane v18, v9;
	v46 =	vadd.s32 v3, v45;
	s23 =	simm.s32 $0xD380  }
0x419: {  	[tilespmem:s23], [sflag:$0x1] =	stream.indirect_vreg.gather [hbm4b:s7+s2], $0x80, v19, vm0, $0xb8;
	[tilespmem:$0x10400] =	vst v63  }
0x41a: {  	v48 =	vperm.xlane v18, v1;
	v19 =	vadd.s32 v3, v47;
	s23 =	simm.s32 $0xD400  }
0x41b: {  	[tilespmem:s23], [sflag:$0x1] =	stream.indirect_vreg.gather [hbm4b:s7+s2], $0x80, v20, vm0, $0xb8;
	[tilespmem:$0x10400] =	vst v63  }
0x41c: {  	v49 =	vperm.xlane v18, v10;
	v20 =	vadd.s32 v3, v48;
	s23 =	simm.s32 $0xD480  }
0x41d: {  	[tilespmem:s23], [sflag:$0x1] =	stream.indirect_vreg.gather [hbm4b:s7+s2], $0x80, v46, vm0, $0xb8;
	[tilespmem:$0x10400] =	vst v63  }
0x41e: {  	v51 =	vperm.xlane v18, v11;
	v50 =	vadd.s32 v3, v49;
	s23 =	simm.s32 $0xD500  }
0x41f: {  	[tilespmem:s23], [sflag:$0x1] =	stream.indirect_vreg.gather [hbm4b:s7+s2], $0x80, v19, vm0, $0xb8;
	[tilespmem:$0x10400] =	vst v63  }
0x420: {  	v52 =	vperm.xlane v18, v12;
	v19 =	vadd.s32 v3, v51;
	s23 =	simm.s32 $0xD580  }
0x421: {  	[tilespmem:s23], [sflag:$0x1] =	stream.indirect_vreg.gather [hbm4b:s7+s2], $0x80, v20, vm0, $0xb8;
	[tilespmem:$0x10400] =	vst v63  }
0x422: {  	v53 =	vperm.xlane v18, v13;
	v20 =	vadd.s32 v3, v52;
	s23 =	simm.s32 $0xD600  }
0x423: {  	[tilespmem:s23], [sflag:$0x1] =	stream.indirect_vreg.gather [hbm4b:s7+s2], $0x80, v50, vm0, $0xb8;
	[tilespmem:$0x10400] =	vst v63  }
0x424: {  	v55 =	vperm.xlane v18, v14;
	v54 =	vadd.s32 v3, v53;
	s23 =	simm.s32 $0xD680  }
0x425: {  	[tilespmem:s23], [sflag:$0x1] =	stream.indirect_vreg.gather [hbm4b:s7+s2], $0x80, v19, vm0, $0xb8;
	[tilespmem:$0x10400] =	vst v63  }
0x426: {  	v56 =	vperm.xlane v18, v15;
	v19 =	vadd.s32 v3, v55;
	s23 =	simm.s32 $0xD700  }
0x427: {  	[tilespmem:s23], [sflag:$0x1] =	stream.indirect_vreg.gather [hbm4b:s7+s2], $0x80, v20, vm0, $0xb8;
	[tilespmem:$0x10400] =	vst v63  }
0x428: {  	v57 =	vperm.xlane v18, v16;
	v20 =	vadd.s32 v3, v56;
	s23 =	simm.s32 $0xD780  }
0x429: {  	[tilespmem:s23], [sflag:$0x1] =	stream.indirect_vreg.gather [hbm4b:s7+s2], $0x80, v54, vm0, $0xb8;
	[tilespmem:$0x10400] =	vst v63  }
0x42a: {  	v18 =	vperm.xlane v18, v17;
	v58 =	vadd.s32 v3, v57;
	s23 =	simm.s32 $0xD800  }
0x42b: {  	[tilespmem:s23], [sflag:$0x1] =	stream.indirect_vreg.gather [hbm4b:s7+s2], $0x80, v19, vm0, $0xb8;
	[tilespmem:$0x10400] =	vst v63  }
0x42c: {  	v18 =	vadd.s32 v3, v18;
	s23 =	simm.s32 $0xD880  }
0x42d: {  	[tilespmem:s23], [sflag:$0x1] =	stream.indirect_vreg.gather [hbm4b:s7+s2], $0x80, v20, vm0, $0xb8;
	[tilespmem:$0x10400] =	vst v63  }
0x42e: {  	s23 =	simm.s32 $0xD900  }
0x42f: {  	[tilespmem:s23], [sflag:$0x1] =	stream.indirect_vreg.gather [hbm4b:s7+s2], $0x80, v58, vm0, $0xb8;
	[tilespmem:$0x10400] =	vst v63  }
0x430: {  	s23 =	simm.s32 $0xD980  }
0x431: {  	[tilespmem:s23], [sflag:$0x1] =	stream.indirect_vreg.gather [hbm4b:s7+s2], $0x80, v18, vm0, $0xb8;
	[tilespmem:$0x10400] =	vst v63  }
0x432: {  	v18 =	vld [tilespmem:$0x1B0];
	_ =	sdelay $0x4  }
0x433: {  	v19 =	vshll.u32 v18, $0x7  }
0x434: {  	v18 =	vand.u32 $0x7, v18;
	v19 =	vand.u32 $0xFFFFFC00, v19  }
0x435: {  	v18 =	vor.u32 v18, v19  }
0x436: {  	v19 =	vperm.xlane v18, v2;
	_ =	sdelay $0x1  }
0x437: {  	v20 =	vperm.xlane v18, v4;
	v19 =	vadd.s32 v3, v19;
	_ =	sdelay $0x1  }
0x438: {  	v59 =	vperm.xlane v18, v5;
	v20 =	vadd.s32 v3, v20;
	_ =	sdelay $0x1  }
0x439: {  	s23 =	simm.s32 $0xDA00;
	v60 =	vperm.xlane v18, v6;
	v21 =	vadd.s32 v3, v59  }
0x43a: {  	[tilespmem:s23], [sflag:$0x1] =	stream.indirect_vreg.gather [hbm4b:s7+s2], $0x80, v19, vm0, $0xb8;
	[tilespmem:$0x10400] =	vst v63  }
0x43b: {  	v61 =	vperm.xlane v18, v7;
	v19 =	vadd.s32 v3, v60;
	s23 =	simm.s32 $0xDA80  }
0x43c: {  	[tilespmem:s23], [sflag:$0x1] =	stream.indirect_vreg.gather [hbm4b:s7+s2], $0x80, v20, vm0, $0xb8;
	[tilespmem:$0x10400] =	vst v63  }
0x43d: {  	v62 =	vperm.xlane v18, v8;
	v20 =	vadd.s32 v3, v61;
	s23 =	simm.s32 $0xDB00  }
0x43e: {  	[tilespmem:s23], [sflag:$0x1] =	stream.indirect_vreg.gather [hbm4b:s7+s2], $0x80, v21, vm0, $0xb8;
	[tilespmem:$0x10400] =	vst v63  }
0x43f: {  	v24 =	vperm.xlane v18, v9;
	v63 =	vadd.s32 v3, v62;
	s23 =	simm.s32 $0xDB80  }
0x440: {  	[tilespmem:s23], [sflag:$0x1] =	stream.indirect_vreg.gather [hbm4b:s7+s2], $0x80, v19, vm0, $0xb8;
	[tilespmem:$0x10400] =	vst v63  }
0x441: {  	v25 =	vperm.xlane v18, v1;
	v19 =	vadd.s32 v3, v24;
	s23 =	simm.s32 $0xDC00  }
0x442: {  	[tilespmem:s23], [sflag:$0x1] =	stream.indirect_vreg.gather [hbm4b:s7+s2], $0x80, v20, vm0, $0xb8;
	[tilespmem:$0x10400] =	vst v63  }
0x443: {  	v26 =	vperm.xlane v18, v10;
	v20 =	vadd.s32 v3, v25;
	s23 =	simm.s32 $0xDC80  }
0x444: {  	[tilespmem:s23], [sflag:$0x1] =	stream.indirect_vreg.gather [hbm4b:s7+s2], $0x80, v63, vm0, $0xb8;
	[tilespmem:$0x10400] =	vst v63  }
0x445: {  	v28 =	vperm.xlane v18, v11;
	v27 =	vadd.s32 v3, v26;
	s23 =	simm.s32 $0xDD00  }
0x446: {  	[tilespmem:s23], [sflag:$0x1] =	stream.indirect_vreg.gather [hbm4b:s7+s2], $0x80, v19, vm0, $0xb8;
	[tilespmem:$0x10400] =	vst v63  }
0x447: {  	v29 =	vperm.xlane v18, v12;
	v19 =	vadd.s32 v3, v28;
	s23 =	simm.s32 $0xDD80  }
0x448: {  	[tilespmem:s23], [sflag:$0x1] =	stream.indirect_vreg.gather [hbm4b:s7+s2], $0x80, v20, vm0, $0xb8;
	[tilespmem:$0x10400] =	vst v63  }
0x449: {  	v30 =	vperm.xlane v18, v13;
	v20 =	vadd.s32 v3, v29;
	s23 =	simm.s32 $0xDE00  }
0x44a: {  	[tilespmem:s23], [sflag:$0x1] =	stream.indirect_vreg.gather [hbm4b:s7+s2], $0x80, v27, vm0, $0xb8;
	[tilespmem:$0x10400] =	vst v63  }
0x44b: {  	v32 =	vperm.xlane v18, v14;
	v31 =	vadd.s32 v3, v30;
	s23 =	simm.s32 $0xDE80  }
0x44c: {  	[tilespmem:s23], [sflag:$0x1] =	stream.indirect_vreg.gather [hbm4b:s7+s2], $0x80, v19, vm0, $0xb8;
	[tilespmem:$0x10400] =	vst v63  }
0x44d: {  	v33 =	vperm.xlane v18, v15;
	v19 =	vadd.s32 v3, v32;
	s23 =	simm.s32 $0xDF00  }
0x44e: {  	[tilespmem:s23], [sflag:$0x1] =	stream.indirect_vreg.gather [hbm4b:s7+s2], $0x80, v20, vm0, $0xb8;
	[tilespmem:$0x10400] =	vst v63  }
0x44f: {  	v34 =	vperm.xlane v18, v16;
	v20 =	vadd.s32 v3, v33;
	s23 =	simm.s32 $0xDF80  }
0x450: {  	[tilespmem:s23], [sflag:$0x1] =	stream.indirect_vreg.gather [hbm4b:s7+s2], $0x80, v31, vm0, $0xb8;
	[tilespmem:$0x10400] =	vst v63  }
0x451: {  	v18 =	vperm.xlane v18, v17;
	v35 =	vadd.s32 v3, v34;
	s23 =	simm.s32 $0xE000  }
0x452: {  	[tilespmem:s23], [sflag:$0x1] =	stream.indirect_vreg.gather [hbm4b:s7+s2], $0x80, v19, vm0, $0xb8;
	[tilespmem:$0x10400] =	vst v63  }
0x453: {  	v18 =	vadd.s32 v3, v18;
	s23 =	simm.s32 $0xE080  }
0x454: {  	[tilespmem:s23], [sflag:$0x1] =	stream.indirect_vreg.gather [hbm4b:s7+s2], $0x80, v20, vm0, $0xb8;
	[tilespmem:$0x10400] =	vst v63  }
0x455: {  	s23 =	simm.s32 $0xE100  }
0x456: {  	[tilespmem:s23], [sflag:$0x1] =	stream.indirect_vreg.gather [hbm4b:s7+s2], $0x80, v35, vm0, $0xb8;
	[tilespmem:$0x10400] =	vst v63  }
0x457: {  	s23 =	simm.s32 $0xE180  }
0x458: {  	[tilespmem:s23], [sflag:$0x1] =	stream.indirect_vreg.gather [hbm4b:s7+s2], $0x80, v18, vm0, $0xb8;
	[tilespmem:$0x10400] =	vst v63  }
0x459: {  	v18 =	vld [tilespmem:$0x1C0];
	_ =	sdelay $0x4  }
0x45a: {  	v19 =	vshll.u32 v18, $0x7  }
0x45b: {  	v18 =	vand.u32 $0x7, v18;
	v19 =	vand.u32 $0xFFFFFC00, v19  }
0x45c: {  	v18 =	vor.u32 v18, v19  }
0x45d: {  	v19 =	vperm.xlane v18, v2;
	_ =	sdelay $0x1  }
0x45e: {  	v20 =	vperm.xlane v18, v4;
	v19 =	vadd.s32 v3, v19;
	_ =	sdelay $0x1  }
0x45f: {  	v36 =	vperm.xlane v18, v5;
	v20 =	vadd.s32 v3, v20;
	_ =	sdelay $0x1  }
0x460: {  	s23 =	simm.s32 $0xE200;
	v37 =	vperm.xlane v18, v6;
	v21 =	vadd.s32 v3, v36  }
0x461: {  	[tilespmem:s23], [sflag:$0x1] =	stream.indirect_vreg.gather [hbm4b:s7+s2], $0x80, v19, vm0, $0xb8;
	[tilespmem:$0x10400] =	vst v63  }
0x462: {  	v38 =	vperm.xlane v18, v7;
	v19 =	vadd.s32 v3, v37;
	s23 =	simm.s32 $0xE280  }
0x463: {  	[tilespmem:s23], [sflag:$0x1] =	stream.indirect_vreg.gather [hbm4b:s7+s2], $0x80, v20, vm0, $0xb8;
	[tilespmem:$0x10400] =	vst v63  }
0x464: {  	v39 =	vperm.xlane v18, v8;
	v20 =	vadd.s32 v3, v38;
	s23 =	simm.s32 $0xE300  }
0x465: {  	[tilespmem:s23], [sflag:$0x1] =	stream.indirect_vreg.gather [hbm4b:s7+s2], $0x80, v21, vm0, $0xb8;
	[tilespmem:$0x10400] =	vst v63  }
0x466: {  	v41 =	vperm.xlane v18, v9;
	v40 =	vadd.s32 v3, v39;
	s23 =	simm.s32 $0xE380  }
0x467: {  	[tilespmem:s23], [sflag:$0x1] =	stream.indirect_vreg.gather [hbm4b:s7+s2], $0x80, v19, vm0, $0xb8;
	[tilespmem:$0x10400] =	vst v63  }
0x468: {  	v42 =	vperm.xlane v18, v1;
	v19 =	vadd.s32 v3, v41;
	s23 =	simm.s32 $0xE400  }
0x469: {  	[tilespmem:s23], [sflag:$0x1] =	stream.indirect_vreg.gather [hbm4b:s7+s2], $0x80, v20, vm0, $0xb8;
	[tilespmem:$0x10400] =	vst v63  }
0x46a: {  	v43 =	vperm.xlane v18, v10;
	v20 =	vadd.s32 v3, v42;
	s23 =	simm.s32 $0xE480  }
0x46b: {  	[tilespmem:s23], [sflag:$0x1] =	stream.indirect_vreg.gather [hbm4b:s7+s2], $0x80, v40, vm0, $0xb8;
	[tilespmem:$0x10400] =	vst v63  }
0x46c: {  	v45 =	vperm.xlane v18, v11;
	v44 =	vadd.s32 v3, v43;
	s23 =	simm.s32 $0xE500  }
0x46d: {  	[tilespmem:s23], [sflag:$0x1] =	stream.indirect_vreg.gather [hbm4b:s7+s2], $0x80, v19, vm0, $0xb8;
	[tilespmem:$0x10400] =	vst v63  }
0x46e: {  	v46 =	vperm.xlane v18, v12;
	v19 =	vadd.s32 v3, v45;
	s23 =	simm.s32 $0xE580  }
0x46f: {  	[tilespmem:s23], [sflag:$0x1] =	stream.indirect_vreg.gather [hbm4b:s7+s2], $0x80, v20, vm0, $0xb8;
	[tilespmem:$0x10400] =	vst v63  }
0x470: {  	v47 =	vperm.xlane v18, v13;
	v20 =	vadd.s32 v3, v46;
	s23 =	simm.s32 $0xE600  }
0x471: {  	[tilespmem:s23], [sflag:$0x1] =	stream.indirect_vreg.gather [hbm4b:s7+s2], $0x80, v44, vm0, $0xb8;
	[tilespmem:$0x10400] =	vst v63  }
0x472: {  	v49 =	vperm.xlane v18, v14;
	v48 =	vadd.s32 v3, v47;
	s23 =	simm.s32 $0xE680  }
0x473: {  	[tilespmem:s23], [sflag:$0x1] =	stream.indirect_vreg.gather [hbm4b:s7+s2], $0x80, v19, vm0, $0xb8;
	[tilespmem:$0x10400] =	vst v63  }
0x474: {  	v50 =	vperm.xlane v18, v15;
	v19 =	vadd.s32 v3, v49;
	s23 =	simm.s32 $0xE700  }
0x475: {  	[tilespmem:s23], [sflag:$0x1] =	stream.indirect_vreg.gather [hbm4b:s7+s2], $0x80, v20, vm0, $0xb8;
	[tilespmem:$0x10400] =	vst v63  }
0x476: {  	v51 =	vperm.xlane v18, v16;
	v20 =	vadd.s32 v3, v50;
	s23 =	simm.s32 $0xE780  }
0x477: {  	[tilespmem:s23], [sflag:$0x1] =	stream.indirect_vreg.gather [hbm4b:s7+s2], $0x80, v48, vm0, $0xb8;
	[tilespmem:$0x10400] =	vst v63  }
0x478: {  	v18 =	vperm.xlane v18, v17;
	v52 =	vadd.s32 v3, v51;
	s23 =	simm.s32 $0xE800  }
0x479: {  	[tilespmem:s23], [sflag:$0x1] =	stream.indirect_vreg.gather [hbm4b:s7+s2], $0x80, v19, vm0, $0xb8;
	[tilespmem:$0x10400] =	vst v63  }
0x47a: {  	v18 =	vadd.s32 v3, v18;
	s23 =	simm.s32 $0xE880  }
0x47b: {  	[tilespmem:s23], [sflag:$0x1] =	stream.indirect_vreg.gather [hbm4b:s7+s2], $0x80, v20, vm0, $0xb8;
	[tilespmem:$0x10400] =	vst v63  }
0x47c: {  	s23 =	simm.s32 $0xE900  }
0x47d: {  	[tilespmem:s23], [sflag:$0x1] =	stream.indirect_vreg.gather [hbm4b:s7+s2], $0x80, v52, vm0, $0xb8;
	[tilespmem:$0x10400] =	vst v63  }
0x47e: {  	s23 =	simm.s32 $0xE980  }
0x47f: {  	[tilespmem:s23], [sflag:$0x1] =	stream.indirect_vreg.gather [hbm4b:s7+s2], $0x80, v18, vm0, $0xb8;
	[tilespmem:$0x10400] =	vst v63  }
0x480: {  	v18 =	vld [tilespmem:$0x1D0];
	_ =	sdelay $0x4  }
0x481: {  	v19 =	vshll.u32 v18, $0x7  }
0x482: {  	v18 =	vand.u32 $0x7, v18;
	v19 =	vand.u32 $0xFFFFFC00, v19  }
0x483: {  	v18 =	vor.u32 v18, v19  }
0x484: {  	v19 =	vperm.xlane v18, v2;
	_ =	sdelay $0x1  }
0x485: {  	v20 =	vperm.xlane v18, v4;
	v19 =	vadd.s32 v3, v19;
	_ =	sdelay $0x1  }
0x486: {  	v53 =	vperm.xlane v18, v5;
	v20 =	vadd.s32 v3, v20;
	_ =	sdelay $0x1  }
0x487: {  	s23 =	simm.s32 $0xEA00;
	v54 =	vperm.xlane v18, v6;
	v21 =	vadd.s32 v3, v53  }
0x488: {  	[tilespmem:s23], [sflag:$0x1] =	stream.indirect_vreg.gather [hbm4b:s7+s2], $0x80, v19, vm0, $0xb8;
	[tilespmem:$0x10400] =	vst v63  }
0x489: {  	v55 =	vperm.xlane v18, v7;
	v19 =	vadd.s32 v3, v54;
	s23 =	simm.s32 $0xEA80  }
0x48a: {  	[tilespmem:s23], [sflag:$0x1] =	stream.indirect_vreg.gather [hbm4b:s7+s2], $0x80, v20, vm0, $0xb8;
	[tilespmem:$0x10400] =	vst v63  }
0x48b: {  	v56 =	vperm.xlane v18, v8;
	v20 =	vadd.s32 v3, v55;
	s23 =	simm.s32 $0xEB00  }
0x48c: {  	[tilespmem:s23], [sflag:$0x1] =	stream.indirect_vreg.gather [hbm4b:s7+s2], $0x80, v21, vm0, $0xb8;
	[tilespmem:$0x10400] =	vst v63  }
0x48d: {  	v58 =	vperm.xlane v18, v9;
	v57 =	vadd.s32 v3, v56;
	s23 =	simm.s32 $0xEB80  }
0x48e: {  	[tilespmem:s23], [sflag:$0x1] =	stream.indirect_vreg.gather [hbm4b:s7+s2], $0x80, v19, vm0, $0xb8;
	[tilespmem:$0x10400] =	vst v63  }
0x48f: {  	v59 =	vperm.xlane v18, v1;
	v19 =	vadd.s32 v3, v58;
	s23 =	simm.s32 $0xEC00  }
0x490: {  	[tilespmem:s23], [sflag:$0x1] =	stream.indirect_vreg.gather [hbm4b:s7+s2], $0x80, v20, vm0, $0xb8;
	[tilespmem:$0x10400] =	vst v63  }
0x491: {  	v60 =	vperm.xlane v18, v10;
	v20 =	vadd.s32 v3, v59;
	s23 =	simm.s32 $0xEC80  }
0x492: {  	[tilespmem:s23], [sflag:$0x1] =	stream.indirect_vreg.gather [hbm4b:s7+s2], $0x80, v57, vm0, $0xb8;
	[tilespmem:$0x10400] =	vst v63  }
0x493: {  	v62 =	vperm.xlane v18, v11;
	v61 =	vadd.s32 v3, v60;
	s23 =	simm.s32 $0xED00  }
0x494: {  	[tilespmem:s23], [sflag:$0x1] =	stream.indirect_vreg.gather [hbm4b:s7+s2], $0x80, v19, vm0, $0xb8;
	[tilespmem:$0x10400] =	vst v63  }
0x495: {  	v63 =	vperm.xlane v18, v12;
	v19 =	vadd.s32 v3, v62;
	s23 =	simm.s32 $0xED80  }
0x496: {  	[tilespmem:s23], [sflag:$0x1] =	stream.indirect_vreg.gather [hbm4b:s7+s2], $0x80, v20, vm0, $0xb8;
	[tilespmem:$0x10400] =	vst v63  }
0x497: {  	v24 =	vperm.xlane v18, v13;
	v20 =	vadd.s32 v3, v63;
	s23 =	simm.s32 $0xEE00  }
0x498: {  	[tilespmem:s23], [sflag:$0x1] =	stream.indirect_vreg.gather [hbm4b:s7+s2], $0x80, v61, vm0, $0xb8;
	[tilespmem:$0x10400] =	vst v63  }
0x499: {  	v26 =	vperm.xlane v18, v14;
	v25 =	vadd.s32 v3, v24;
	s23 =	simm.s32 $0xEE80  }
0x49a: {  	[tilespmem:s23], [sflag:$0x1] =	stream.indirect_vreg.gather [hbm4b:s7+s2], $0x80, v19, vm0, $0xb8;
	[tilespmem:$0x10400] =	vst v63  }
0x49b: {  	v27 =	vperm.xlane v18, v15;
	v19 =	vadd.s32 v3, v26;
	s23 =	simm.s32 $0xEF00  }
0x49c: {  	[tilespmem:s23], [sflag:$0x1] =	stream.indirect_vreg.gather [hbm4b:s7+s2], $0x80, v20, vm0, $0xb8;
	[tilespmem:$0x10400] =	vst v63  }
0x49d: {  	v28 =	vperm.xlane v18, v16;
	v20 =	vadd.s32 v3, v27;
	s23 =	simm.s32 $0xEF80  }
0x49e: {  	[tilespmem:s23], [sflag:$0x1] =	stream.indirect_vreg.gather [hbm4b:s7+s2], $0x80, v25, vm0, $0xb8;
	[tilespmem:$0x10400] =	vst v63  }
0x49f: {  	v18 =	vperm.xlane v18, v17;
	v29 =	vadd.s32 v3, v28;
	s23 =	simm.s32 $0xF000  }
0x4a0: {  	[tilespmem:s23], [sflag:$0x1] =	stream.indirect_vreg.gather [hbm4b:s7+s2], $0x80, v19, vm0, $0xb8;
	[tilespmem:$0x10400] =	vst v63  }
0x4a1: {  	v18 =	vadd.s32 v3, v18;
	s23 =	simm.s32 $0xF080  }
0x4a2: {  	[tilespmem:s23], [sflag:$0x1] =	stream.indirect_vreg.gather [hbm4b:s7+s2], $0x80, v20, vm0, $0xb8;
	[tilespmem:$0x10400] =	vst v63  }
0x4a3: {  	s23 =	simm.s32 $0xF100  }
0x4a4: {  	[tilespmem:s23], [sflag:$0x1] =	stream.indirect_vreg.gather [hbm4b:s7+s2], $0x80, v29, vm0, $0xb8;
	[tilespmem:$0x10400] =	vst v63  }
0x4a5: {  	s23 =	simm.s32 $0xF180  }
0x4a6: {  	[tilespmem:s23], [sflag:$0x1] =	stream.indirect_vreg.gather [hbm4b:s7+s2], $0x80, v18, vm0, $0xb8;
	[tilespmem:$0x10400] =	vst v63  }
0x4a7: {  	v18 =	vld [tilespmem:$0x1E0];
	_ =	sdelay $0x4  }
0x4a8: {  	v19 =	vshll.u32 v18, $0x7  }
0x4a9: {  	v18 =	vand.u32 $0x7, v18;
	v19 =	vand.u32 $0xFFFFFC00, v19  }
0x4aa: {  	v18 =	vor.u32 v18, v19  }
0x4ab: {  	v19 =	vperm.xlane v18, v2;
	_ =	sdelay $0x1  }
0x4ac: {  	v20 =	vperm.xlane v18, v4;
	v19 =	vadd.s32 v3, v19;
	_ =	sdelay $0x1  }
0x4ad: {  	v30 =	vperm.xlane v18, v5;
	v20 =	vadd.s32 v3, v20;
	_ =	sdelay $0x1  }
0x4ae: {  	s23 =	simm.s32 $0xF200;
	v31 =	vperm.xlane v18, v6;
	v21 =	vadd.s32 v3, v30  }
0x4af: {  	[tilespmem:s23], [sflag:$0x1] =	stream.indirect_vreg.gather [hbm4b:s7+s2], $0x80, v19, vm0, $0xb8;
	[tilespmem:$0x10400] =	vst v63  }
0x4b0: {  	v32 =	vperm.xlane v18, v7;
	v19 =	vadd.s32 v3, v31;
	s23 =	simm.s32 $0xF280  }
0x4b1: {  	[tilespmem:s23], [sflag:$0x1] =	stream.indirect_vreg.gather [hbm4b:s7+s2], $0x80, v20, vm0, $0xb8;
	[tilespmem:$0x10400] =	vst v63  }
0x4b2: {  	v33 =	vperm.xlane v18, v8;
	v20 =	vadd.s32 v3, v32;
	s23 =	simm.s32 $0xF300  }
0x4b3: {  	[tilespmem:s23], [sflag:$0x1] =	stream.indirect_vreg.gather [hbm4b:s7+s2], $0x80, v21, vm0, $0xb8;
	[tilespmem:$0x10400] =	vst v63  }
0x4b4: {  	v35 =	vperm.xlane v18, v9;
	v34 =	vadd.s32 v3, v33;
	s23 =	simm.s32 $0xF380  }
0x4b5: {  	[tilespmem:s23], [sflag:$0x1] =	stream.indirect_vreg.gather [hbm4b:s7+s2], $0x80, v19, vm0, $0xb8;
	[tilespmem:$0x10400] =	vst v63  }
0x4b6: {  	v36 =	vperm.xlane v18, v1;
	v19 =	vadd.s32 v3, v35;
	s23 =	simm.s32 $0xF400  }
0x4b7: {  	[tilespmem:s23], [sflag:$0x1] =	stream.indirect_vreg.gather [hbm4b:s7+s2], $0x80, v20, vm0, $0xb8;
	[tilespmem:$0x10400] =	vst v63  }
0x4b8: {  	v37 =	vperm.xlane v18, v10;
	v20 =	vadd.s32 v3, v36;
	s23 =	simm.s32 $0xF480  }
0x4b9: {  	[tilespmem:s23], [sflag:$0x1] =	stream.indirect_vreg.gather [hbm4b:s7+s2], $0x80, v34, vm0, $0xb8;
	[tilespmem:$0x10400] =	vst v63  }
0x4ba: {  	v39 =	vperm.xlane v18, v11;
	v38 =	vadd.s32 v3, v37;
	s23 =	simm.s32 $0xF500  }
0x4bb: {  	[tilespmem:s23], [sflag:$0x1] =	stream.indirect_vreg.gather [hbm4b:s7+s2], $0x80, v19, vm0, $0xb8;
	[tilespmem:$0x10400] =	vst v63  }
0x4bc: {  	v40 =	vperm.xlane v18, v12;
	v19 =	vadd.s32 v3, v39;
	s23 =	simm.s32 $0xF580  }
0x4bd: {  	[tilespmem:s23], [sflag:$0x1] =	stream.indirect_vreg.gather [hbm4b:s7+s2], $0x80, v20, vm0, $0xb8;
	[tilespmem:$0x10400] =	vst v63  }
0x4be: {  	v41 =	vperm.xlane v18, v13;
	v20 =	vadd.s32 v3, v40;
	s23 =	simm.s32 $0xF600  }
0x4bf: {  	[tilespmem:s23], [sflag:$0x1] =	stream.indirect_vreg.gather [hbm4b:s7+s2], $0x80, v38, vm0, $0xb8;
	[tilespmem:$0x10400] =	vst v63  }
0x4c0: {  	v43 =	vperm.xlane v18, v14;
	v42 =	vadd.s32 v3, v41;
	s23 =	simm.s32 $0xF680  }
0x4c1: {  	[tilespmem:s23], [sflag:$0x1] =	stream.indirect_vreg.gather [hbm4b:s7+s2], $0x80, v19, vm0, $0xb8;
	[tilespmem:$0x10400] =	vst v63  }
0x4c2: {  	v44 =	vperm.xlane v18, v15;
	v19 =	vadd.s32 v3, v43;
	s23 =	simm.s32 $0xF700  }
0x4c3: {  	[tilespmem:s23], [sflag:$0x1] =	stream.indirect_vreg.gather [hbm4b:s7+s2], $0x80, v20, vm0, $0xb8;
	[tilespmem:$0x10400] =	vst v63  }
0x4c4: {  	v45 =	vperm.xlane v18, v16;
	v20 =	vadd.s32 v3, v44;
	s23 =	simm.s32 $0xF780  }
0x4c5: {  	[tilespmem:s23], [sflag:$0x1] =	stream.indirect_vreg.gather [hbm4b:s7+s2], $0x80, v42, vm0, $0xb8;
	[tilespmem:$0x10400] =	vst v63  }
0x4c6: {  	v18 =	vperm.xlane v18, v17;
	v46 =	vadd.s32 v3, v45;
	s23 =	simm.s32 $0xF800  }
0x4c7: {  	[tilespmem:s23], [sflag:$0x1] =	stream.indirect_vreg.gather [hbm4b:s7+s2], $0x80, v19, vm0, $0xb8;
	[tilespmem:$0x10400] =	vst v63  }
0x4c8: {  	v18 =	vadd.s32 v3, v18  }
0x4c9: {  	[tilespmem:s16], [sflag:$0x1] =	stream.indirect_vreg.gather [hbm4b:s7+s2], $0x80, v20, vm0, $0xb8;
	[tilespmem:$0x10400] =	vst v63  }
0x4ca: {  	_ = 	snop  }
0x4cb: {  	[tilespmem:s17], [sflag:$0x1] =	stream.indirect_vreg.gather [hbm4b:s7+s2], $0x80, v46, vm0, $0xb8;
	[tilespmem:$0x10400] =	vst v63  }
0x4cc: {  	_ = 	snop  }
0x4cd: {  	[tilespmem:s18], [sflag:$0x1] =	stream.indirect_vreg.gather [hbm4b:s7+s2], $0x80, v18, vm0, $0xb8;
	[tilespmem:$0x10400] =	vst v63  }
0x4ce: {  	v18 =	vld [tilespmem:$0x1F0];
	_ =	sdelay $0x4  }
0x4cf: {  	v19 =	vshll.u32 v18, $0x7  }
0x4d0: {  	v18 =	vand.u32 $0x7, v18;
	v19 =	vand.u32 $0xFFFFFC00, v19  }
0x4d1: {  	v18 =	vor.u32 v18, v19  }
0x4d2: {  	v19 =	vperm.xlane v18, v2;
	_ =	sdelay $0x1  }
0x4d3: {  	v20 =	vperm.xlane v18, v4;
	v19 =	vadd.s32 v3, v19;
	_ =	sdelay $0x1  }
0x4d4: {  	v47 =	vperm.xlane v18, v5;
	v20 =	vadd.s32 v3, v20;
	_ =	sdelay $0x1  }
0x4d5: {  	s23 =	simm.s32 $0xFA00;
	v48 =	vperm.xlane v18, v6;
	v21 =	vadd.s32 v3, v47  }
0x4d6: {  	[tilespmem:s23], [sflag:$0x1] =	stream.indirect_vreg.gather [hbm4b:s7+s2], $0x80, v19, vm0, $0xb8;
	[tilespmem:$0x10400] =	vst v63  }
0x4d7: {  	v49 =	vperm.xlane v18, v7;
	v19 =	vadd.s32 v3, v48  }
0x4d8: {  	[tilespmem:s13], [sflag:$0x1] =	stream.indirect_vreg.gather [hbm4b:s7+s2], $0x80, v20, vm0, $0xb8;
	[tilespmem:$0x10400] =	vst v63  }
0x4d9: {  	v50 =	vperm.xlane v18, v8;
	v20 =	vadd.s32 v3, v49  }
0x4da: {  	[tilespmem:s15], [sflag:$0x1] =	stream.indirect_vreg.gather [hbm4b:s7+s2], $0x80, v21, vm0, $0xb8;
	[tilespmem:$0x10400] =	vst v63  }
0x4db: {  	v52 =	vperm.xlane v18, v9;
	v51 =	vadd.s32 v3, v50  }
0x4dc: {  	[tilespmem:s14], [sflag:$0x1] =	stream.indirect_vreg.gather [hbm4b:s7+s2], $0x80, v19, vm0, $0xb8;
	[tilespmem:$0x10400] =	vst v63  }
0x4dd: {  	v53 =	vperm.xlane v18, v1;
	v19 =	vadd.s32 v3, v52  }
0x4de: {  	[tilespmem:s0], [sflag:$0x1] =	stream.indirect_vreg.gather [hbm4b:s7+s2], $0x80, v20, vm0, $0xb8;
	[tilespmem:$0x10400] =	vst v63  }
0x4df: {  	v54 =	vperm.xlane v18, v10;
	v20 =	vadd.s32 v3, v53  }
0x4e0: {  	[tilespmem:s12], [sflag:$0x1] =	stream.indirect_vreg.gather [hbm4b:s7+s2], $0x80, v51, vm0, $0xb8;
	[tilespmem:$0x10400] =	vst v63  }
0x4e1: {  	v56 =	vperm.xlane v18, v11;
	v55 =	vadd.s32 v3, v54  }
0x4e2: {  	[tilespmem:s1], [sflag:$0x1] =	stream.indirect_vreg.gather [hbm4b:s7+s2], $0x80, v19, vm0, $0xb8;
	[tilespmem:$0x10400] =	vst v63  }
0x4e3: {  	v57 =	vperm.xlane v18, v12;
	v19 =	vadd.s32 v3, v56  }
0x4e4: {  	[tilespmem:s29], [sflag:$0x1] =	stream.indirect_vreg.gather [hbm4b:s7+s2], $0x80, v20, vm0, $0xb8;
	[tilespmem:$0x10400] =	vst v63  }
0x4e5: {  	v58 =	vperm.xlane v18, v13;
	v20 =	vadd.s32 v3, v57  }
0x4e6: {  	[tilespmem:s31], [sflag:$0x1] =	stream.indirect_vreg.gather [hbm4b:s7+s2], $0x80, v55, vm0, $0xb8;
	[tilespmem:$0x10400] =	vst v63  }
0x4e7: {  	v60 =	vperm.xlane v18, v14;
	v59 =	vadd.s32 v3, v58  }
0x4e8: {  	[tilespmem:s30], [sflag:$0x1] =	stream.indirect_vreg.gather [hbm4b:s7+s2], $0x80, v19, vm0, $0xb8;
	[tilespmem:$0x10400] =	vst v63  }
0x4e9: {  	v61 =	vperm.xlane v18, v15;
	v19 =	vadd.s32 v3, v60  }
0x4ea: {  	[tilespmem:s26], [sflag:$0x1] =	stream.indirect_vreg.gather [hbm4b:s7+s2], $0x80, v20, vm0, $0xb8;
	[tilespmem:$0x10400] =	vst v63  }
0x4eb: {  	v62 =	vperm.xlane v18, v16;
	v20 =	vadd.s32 v3, v61  }
0x4ec: {  	[tilespmem:s28], [sflag:$0x1] =	stream.indirect_vreg.gather [hbm4b:s7+s2], $0x80, v59, vm0, $0xb8;
	[tilespmem:$0x10400] =	vst v63  }
0x4ed: {  	v18 =	vperm.xlane v18, v17;
	v63 =	vadd.s32 v3, v62  }
0x4ee: {  	[tilespmem:s25], [sflag:$0x1] =	stream.indirect_vreg.gather [hbm4b:s7+s2], $0x80, v19, vm0, $0xb8;
	[tilespmem:$0x10400] =	vst v63  }
0x4ef: {  	v18 =	vadd.s32 v3, v18  }
0x4f0: {  	[tilespmem:s24], [sflag:$0x1] =	stream.indirect_vreg.gather [hbm4b:s7+s2], $0x80, v20, vm0, $0xb8;
	[tilespmem:$0x10400] =	vst v63  }
0x4f1: {  	s23 =	simm.s32 $0x10100  }
0x4f2: {  	[tilespmem:s23], [sflag:$0x1] =	stream.indirect_vreg.gather [hbm4b:s7+s2], $0x80, v63, vm0, $0xb8;
	[tilespmem:$0x10400] =	vst v63  }
0x4f3: {  	s23 =	simm.s32 $0x10180  }
0x4f4: {  	[tilespmem:s23], [sflag:$0x1] =	stream.indirect_vreg.gather [hbm4b:s7+s2], $0x80, v18, vm0, $0xb8;
	[tilespmem:$0x10400] =	vst v63  }
0x4f5: {  	_ =	swait.ge [sflag:s19], $0x4000  }
0x4f6: {  	[sflag:s19] =	ssyncset.done $0x0  }
0x4f7: {  	[sflag:s19] =	ssyncadd.s32 $0xFFFFC000  }
0x4f8: {  	_ =	swait.ge [sflag:s19], $0x4000  }
0x4f9: {  	[sflag:s19] =	ssyncset.done $0x0  }
0x4fa: {  	v18 =	vor.u32 s2, v0;
	[sflag:s19] =	ssyncadd.s32 $0xFFFFC000  }
0x4fb: {  	v19 =	vand.u32 $0x7F, v18;
	v18 =	vshll.u32 v18, $0x7;
	_ =	swait.ge [sflag:s19], $0x4000  }
0x4fc: {  	v18 =	vor.u32 v19, v18;
	[sflag:s19] =	ssyncset.done $0x0  }
0x4fd: {  	[sflag:s19] =	ssyncadd.s32 $0xFFFFC000  }
0x4fe: {  	_ =	swait.ge [sflag:s19], $0x4000  }
0x4ff: {  	[sflag:s19] =	ssyncset.done $0x0  }
0x500: {  	[sflag:s19] =	ssyncadd.s32 $0xFFFFC000  }
0x501: {  	v18 =	vld.idx.msk [tilespmem:v18+s11+$0x0], $0xffff;
	_ =	sdelay $0x4  }
0x502: {  	v18 =	vmul.f32 $1.000000010e-01, v18;
	_ =	sdelay $0x1  }
0x503: {  	v18 =	vand.u32 $0x7FFFFFFF, v18  }
0x504: {  	v18 =	vmul.f32 $1.442695020e+00, v18;
	_ =	sdelay $0x1  }
0x505: {  	(erf) = vpow2.f32 v18;
	_ =	sdelay $0x3  }
0x506: {  	s23 =	simm.s32 $0x10  }
0x507: {  	v18 =	vor.u32 s23, v0  }
0x508: {  	v19 =	vand.u32 $0x7F, v18  }
0x509: {  	v18 =	vshll.u32 v18, $0x7  }
0x50a: {  	v18 =	vor.u32 v19, v18  }
0x50b: {  	v19 =	vpop (erf)  }
0x50c: {  	v19 =	vadd.f32 $-1.000000000e+00, v19;
	_ =	sdelay $0x1  }
0x50d: {  	[tilespmem:s20+$0x0] =	vst v19  }
0x50e: {  	v18 =	vld.idx.msk [tilespmem:v18+s11+$0x0], $0xffff;
	_ =	sdelay $0x4  }
0x50f: {  	v18 =	vmul.f32 $1.000000010e-01, v18;
	_ =	sdelay $0x1  }
0x510: {  	v18 =	vand.u32 $0x7FFFFFFF, v18  }
0x511: {  	v18 =	vmul.f32 $1.442695020e+00, v18;
	_ =	sdelay $0x1  }
0x512: {  	(erf) = vpow2.f32 v18;
	_ =	sdelay $0x4  }
0x513: {  	s23 =	simm.s32 $0x20  }
0x514: {  	s22 =	simm.s32 $0x10200;
	v18 =	vor.u32 s23, v0;
	s23 =	simm.s32 $0x30  }
.LBB2_2:
0x515: {  	p0 =	sne.s32 s23, $0x1F0;
	v20 =	vand.u32 $0x7F, v18;
	v18 =	vshll.u32 v18, $0x7  }
0x516: {  	v18 =	vor.u32 v20, v18  }
0x517: {  	v19 =	vpop (erf)  }
0x518: {  	v19 =	vadd.f32 $-1.000000000e+00, v19  }
0x519: {  	s22 =	sadd.s32 $0x10, s22  }
0x51a: {  	[tilespmem:s22+$0x0] =	vst v19  }
0x51b: {  	v18 =	vld.idx.msk [tilespmem:v18+s11+$0x0], $0xffff;
	_ =	sdelay $0x5  }
0x51c: {  	v18 =	vmul.f32 $1.000000010e-01, v18;
	_ =	sdelay $0x1  }
0x51d: {  	v18 =	vand.u32 $0x7FFFFFFF, v18  }
0x51e: {  	v18 =	vmul.f32 $1.442695020e+00, v18;
	_ =	sdelay $0x1  }
0x51f: {  	(erf) = vpow2.f32 v18;
	_ =	sdelay $0x1  }
.Ltmp0:
0x520: {  	(pc) =	sbr.rel @p0 .LBB2_2-.Ltmp0, $2  }
0x521: {  	_ =	sdelay $0x2  }
0x522: {  	v18 =	vor.u32 s23, v0;
	s23 =	sadd.s32 $0x10, s23  }
0x523: {  	v19 =	vand.u32 $0x7F, v18  }
0x524: {  	v18 =	vshll.u32 v18, $0x7  }
0x525: {  	v18 =	vor.u32 v19, v18  }
0x526: {  	v19 =	vpop (erf)  }
0x527: {  	v19 =	vadd.f32 $-1.000000000e+00, v19  }
0x528: {  	s22 =	sadd.s32 $0x10, s22  }
0x529: {  	[tilespmem:s22+$0x0] =	vst v19  }
0x52a: {  	v18 =	vld.idx.msk [tilespmem:v18+s11+$0x0], $0xffff;
	_ =	sdelay $0x4  }
0x52b: {  	v18 =	vmul.f32 $1.000000010e-01, v18;
	_ =	sdelay $0x1  }
0x52c: {  	v18 =	vand.u32 $0x7FFFFFFF, v18  }
0x52d: {  	v18 =	vmul.f32 $1.442695020e+00, v18;
	_ =	sdelay $0x1  }
0x52e: {  	(erf) = vpow2.f32 v18;
	_ =	sdelay $0x8  }
0x52f: {  	v18 =	vpop (erf)  }
0x530: {  	s21 =	sadd.s32 $0x1, s21;
	v18 =	vadd.f32 $-1.000000000e+00, v18  }
0x531: {  	p0 =	sne.s32 s21, s9;
	s22 =	sadd.s32 $0x10, s22  }
.Ltmp1:
0x532: {  	[tilespmem:s22+$0x0] =	vst v18;
	(pc) =	sbr.rel @p0 .LBB2_1-.Ltmp1, $4  }
0x533: {  	[hbm4b:s8+s2] =	stream.linear.scatter [tilespmem:s20], [sflag:$0x2], $0x200, $0x38;
	[tilespmem:$0x10400] =	vst v63  }
0x534: {  	_ =	swait.ge [sflag:s10], $0x200  }
0x535: {  	[sflag:s10] =	ssyncset.done $0x0  }
0x536: {  	[sflag:s10] =	ssyncadd.s32 $0xFFFFFE00  }
0x537: {  	_ =	sfence.sel $0x180000  }
0x538: {  	[bflag:$0x0] =	sbarrier.arrive $0xFFFF  }
0x539: {  	_ =	strace $0x90000047  }
0x53a: {  	s0 =	stileid.u32;
	[bflag:$0x2] =	sbarrier.arrive $0xFFFF  }
0x53b: {  	p0 =	sne.s32 s0, $0x0;
	s0 =	rddreg [dreg:$0x3]  }
0x53c: {  	s0 =	sadd.s32 @!p0 $0x100000, s0  }
0x53d: {  	[sflag:s0] =	ssyncadd.tile.s32 @!p0 $0x1;
	_ =	shalt  }
.Lfunc_end2:
_tile_overlayer_lowered:
.L_overlay_start_2:
0x53e: {  	(tag) =	ssettag $0x2  }
0x53f: {  	s0 =	rddreg [dreg:$0x0];
	s2 =	stileid.u32  }
0x540: {  	s1 =	rddreg [dreg:$0x1];
	p0 =	sne.s32 s2, $0x0  }
0x541: {  	s3 =	rddreg [dreg:$0x2];
	[bflag:$0x3] =	sbarrier.arrive $0xFFFF;
	s2 =	simm.s32 @!p0 $0x1C02  }
0x542: {  	[timem:s3], [sflag:s2] =	dma.local @!p0 [hbm:s0], s1  }
0x543: {  	s0 =	simm.s32 @!p0 $0x2  }
0x544: {  	_ =	swait.ge @!p0 [sflag:s0], s1  }
0x545: {  	s1 =	ssub.s32 @!p0 $0x0, s1;
	[sflag:s0] =	ssyncset.done @!p0 $0x0  }
0x546: {  	[sflag:s0] =	ssyncadd.s32 @!p0 s1  }
0x547: {  	[bflag:$0x3] =	sbarrier.arrive $0xFFFF  }
0x548: {  	_ =	shalt  }

</sc_bundles>
